<compile_context>
chip_gen: v7x
topology: tpu7x:2x2x1
jax: 0.10.2.dev20260603
libtpu: 0.0.44.dev20260713+nightly
codegen_flags: <defaults>
</compile_context>

<pallas_src>
import functools

import jax
import jax.numpy as jnp
from jax import lax
from jax.experimental import pallas as pl
from jax.experimental.pallas import tpu as pltpu
from jax.experimental.pallas import tpu_sc as plsc


def kernel(x, idx):
    b, t, _ = x.shape
    num = idx.shape[1]
    info = plsc.get_sparse_core_info()
    lanes = info.num_lanes
    nw = info.num_cores * info.num_subcores
    rows_per_w = b // nw

    mesh = plsc.VectorSubcoreMesh(core_axis_name="c", subcore_axis_name="s")

    @functools.partial(
        pl.kernel,
        out_type=jax.ShapeDtypeStruct((b * t,), jnp.float32),
        mesh=mesh,
        compiler_params=pltpu.CompilerParams(needs_layout_passes=False),
        scratch_types=[
            pltpu.VMEM((t,), jnp.float32),
            pltpu.VMEM((t,), jnp.float32),
            pltpu.VMEM((t,), jnp.float32),
            pltpu.VMEM((rows_per_w, num), jnp.int32),
            pltpu.SemaphoreType.DMA,
            pltpu.SemaphoreType.DMA,
            pltpu.SemaphoreType.DMA,
            pltpu.SemaphoreType.DMA,
            pltpu.SemaphoreType.DMA,
            pltpu.SemaphoreType.DMA,
            pltpu.SemaphoreType.DMA,
        ],
    )
    def cut(x_hbm, idx_hbm, out_hbm, row_v0, row_v1, row_v2, idx_v,
            semi, semx0, semx1, semx2, semo0, semo1, semo2):
        wid = lax.axis_index("s") * info.num_cores + lax.axis_index("c")
        base = wid * rows_per_w
        zeros = jnp.zeros((lanes,), jnp.float32)
        bufs = (row_v0, row_v1, row_v2)
        semx = (semx0, semx1, semx2)
        semo = (semo0, semo1, semo2)
        nbuf = 3

        ci = pltpu.async_copy(idx_hbm.at[pl.ds(base, rows_per_w)], idx_v, semi)
        loads = [None] * rows_per_w
        stores = [None] * rows_per_w

        def start_load(i):
            loads[i] = pltpu.async_copy(
                x_hbm.at[pl.ds((base + i) * t, t)], bufs[i % nbuf], semx[i % nbuf])

        start_load(0)
        start_load(1)
        ci.wait()
        for i in range(rows_per_w):
            if i + 2 < rows_per_w:
                if i >= 1:
                    stores[i - 1].wait()
                start_load(i + 2)
            loads[i].wait()

            @plsc.parallel_loop(0, num, step=lanes, unroll=8)
            def _(j, i=i):
                v = idx_v[i, pl.ds(j, lanes)]
                plsc.store_scatter(bufs[i % nbuf], [v], zeros)
            stores[i] = pltpu.async_copy(
                bufs[i % nbuf], out_hbm.at[pl.ds((base + i) * t, t)], semo[i % nbuf])
        for s in stores[-3:]:
            s.wait()

    out = cut(jnp.reshape(x, (b * t,)), idx)
    return jnp.reshape(out, (b, t, 1))

# --- scband reference (transcript-rebuilt; emitter-appended) ---
"""Pipeline reference for scband-cutting-samples-39247411151251 (READ-ONLY COPY).

The authoritative reference and input builder live on the scoring server;
editing this copy changes nothing except your own understanding.
"""

import jax, jax.numpy as jnp
import numpy as np

B, T, NUM = 256, 32768, 2048

def setup_inputs(seed: int = 0) -> dict:
    key = jax.random.key(seed)
    k1, k2 = jax.random.split(key)
    x = jax.random.normal(k1, (B, T, 1), dtype=jnp.float32)
    # The original layer draws idx internally via tf.random.uniform; with prob=100.0
    # the cutting branch always executes. We materialize the random indices here
    # so the reference is deterministic.
    idx = jax.random.randint(k2, (B, NUM), 0, T, dtype=jnp.int32)
    return {"x": x, "idx": idx}

def reference(x, idx):
    b = x.shape[0]
    t = x.shape[1]
    flat = jnp.reshape(x, (-1,))
    base = jnp.arange(b, dtype=jnp.int32)[:, None] * t
    pos = jnp.reshape(base + idx, (-1,))
    # tf.tensor_scatter_nd_update(ones, pos, zeros) == scatter-overwrite of zeros
    mask = jnp.ones_like(flat).at[pos].set(0.0)
    return jnp.reshape(flat * mask, (b, t, 1))

if __name__ == "__main__":
    import jax
    _d = setup_inputs()
    print(jax.jit(kernel)(*tuple(_d.values())))

</pallas_src>

<mosaic_0001>
#map = affine_map<(d0, d1) -> (0)>
#map1 = affine_map<(d0, d1) -> (0, 0)>
module attributes {stable_mosaic.version = 14 : i64} {
  func.func @cut(%arg0: i32, %arg1: i32, %arg2: memref<8388608xf32, #tpu.memory_space<hbm>>, %arg3: memref<256x2048xi32, #tpu.memory_space<hbm>>, %arg4: memref<8388608xf32, #tpu.memory_space<hbm>>, %arg5: memref<32768xf32, #tpu.memory_space<vmem>>, %arg6: memref<32768xf32, #tpu.memory_space<vmem>>, %arg7: memref<32768xf32, #tpu.memory_space<vmem>>, %arg8: memref<8x2048xi32, #tpu.memory_space<vmem>>, %arg9: memref<!tpu.dma_semaphore, #tpu.memory_space<semaphore_mem>>, %arg10: memref<!tpu.dma_semaphore, #tpu.memory_space<semaphore_mem>>, %arg11: memref<!tpu.dma_semaphore, #tpu.memory_space<semaphore_mem>>, %arg12: memref<!tpu.dma_semaphore, #tpu.memory_space<semaphore_mem>>, %arg13: memref<!tpu.dma_semaphore, #tpu.memory_space<semaphore_mem>>, %arg14: memref<!tpu.dma_semaphore, #tpu.memory_space<semaphore_mem>>, %arg15: memref<!tpu.dma_semaphore, #tpu.memory_space<semaphore_mem>>) attributes {dimension_semantics = [#tpu.dimension_semantics<core_parallel>, #tpu.dimension_semantics<subcore_parallel>], iteration_bounds = array<i64: 2, 16>, scalar_prefetch = 0 : i64, scratch_operands = 11 : i64, tpu.core_type = #tpu.core_type<sc_vector_subcore>, window_params = [{transform_indices = #map}, {transform_indices = #map1}, {transform_indices = #map}]} {
    %mul3A = arith.constant 2 : i32
    %mul3A_0 = arith.muli %arg1, %mul3A : i32
    %add3A = arith.addi %mul3A_0, %arg0 : i32
    %mul3A_1 = arith.constant 8 : i32
    %mul3A_2 = arith.muli %add3A, %mul3A_1 : i32
    %broadcast_in_dim3A = arith.constant 0.000000e+00 : f32
    %broadcast_in_dim3A_3 = vector.broadcast %broadcast_in_dim3A : f32 to vector<16xf32>
    %dma_start3A = arith.constant 0 : i32
    %dma_start3A_4 = tpu.memref_slice %arg3[%mul3A_2, %dma_start3A] : memref<256x2048xi32, #tpu.memory_space<hbm>> -> memref<8x2048xi32, #tpu.memory_space<hbm>>
    %dma_start3A_5 = arith.constant 0 : i32
    %dma_start3A_6 = tpu.memref_slice %arg3[%mul3A_2, %dma_start3A_5] : memref<256x2048xi32, #tpu.memory_space<hbm>> -> memref<8x2048xi32, #tpu.memory_space<hbm>>
    tpu.enqueue_dma source(%dma_start3A_6 : memref<8x2048xi32, #tpu.memory_space<hbm>>) target(%arg8 : memref<8x2048xi32, #tpu.memory_space<vmem>>) target_semaphore(%arg9 : memref<!tpu.dma_semaphore, #tpu.memory_space<semaphore_mem>>)
    %add3A_7 = arith.constant 0 : i32
    %add3A_8 = arith.addi %mul3A_2, %add3A_7 : i32
    %mul3A_9 = arith.constant 32768 : i32
    %mul3A_10 = arith.muli %add3A_8, %mul3A_9 : i32
    %dma_start3A_11 = tpu.memref_slice %arg2[%mul3A_10] : memref<8388608xf32, #tpu.memory_space<hbm>> -> memref<32768xf32, #tpu.memory_space<hbm>>
    %dma_start3A_12 = tpu.memref_slice %arg2[%mul3A_10] : memref<8388608xf32, #tpu.memory_space<hbm>> -> memref<32768xf32, #tpu.memory_space<hbm>>
    tpu.enqueue_dma source(%dma_start3A_12 : memref<32768xf32, #tpu.memory_space<hbm>>) target(%arg5 : memref<32768xf32, #tpu.memory_space<vmem>>) target_semaphore(%arg10 : memref<!tpu.dma_semaphore, #tpu.memory_space<semaphore_mem>>)
    %add3A_13 = arith.constant 1 : i32
    %add3A_14 = arith.addi %mul3A_2, %add3A_13 : i32
    %mul3A_15 = arith.constant 32768 : i32
    %mul3A_16 = arith.muli %add3A_14, %mul3A_15 : i32
    %dma_start3A_17 = tpu.memref_slice %arg2[%mul3A_16] : memref<8388608xf32, #tpu.memory_space<hbm>> -> memref<32768xf32, #tpu.memory_space<hbm>>
    %dma_start3A_18 = tpu.memref_slice %arg2[%mul3A_16] : memref<8388608xf32, #tpu.memory_space<hbm>> -> memref<32768xf32, #tpu.memory_space<hbm>>
    tpu.enqueue_dma source(%dma_start3A_18 : memref<32768xf32, #tpu.memory_space<hbm>>) target(%arg6 : memref<32768xf32, #tpu.memory_space<vmem>>) target_semaphore(%arg11 : memref<!tpu.dma_semaphore, #tpu.memory_space<semaphore_mem>>)
    %dma_wait3A = arith.constant 0 : i32
    %dma_wait3A_19 = tpu.memref_slice %arg3[%mul3A_2, %dma_wait3A] : memref<256x2048xi32, #tpu.memory_space<hbm>> -> memref<8x2048xi32, #tpu.memory_space<hbm>>
    %dma_wait3A_20 = arith.constant 0 : i32
    %dma_wait3A_21 = tpu.memref_slice %arg3[%mul3A_2, %dma_wait3A_20] : memref<256x2048xi32, #tpu.memory_space<hbm>> -> memref<8x2048xi32, #tpu.memory_space<hbm>>
    tpu.wait_dma2 semaphore(%arg9 : memref<!tpu.dma_semaphore, #tpu.memory_space<semaphore_mem>>) src(%dma_wait3A_21 : memref<8x2048xi32, #tpu.memory_space<hbm>>) dst(%arg8 : memref<8x2048xi32, #tpu.memory_space<vmem>>)
    %add3A_22 = arith.constant 2 : i32
    %add3A_23 = arith.addi %mul3A_2, %add3A_22 : i32
    %mul3A_24 = arith.constant 32768 : i32
    %mul3A_25 = arith.muli %add3A_23, %mul3A_24 : i32
    %dma_start3A_26 = tpu.memref_slice %arg2[%mul3A_25] : memref<8388608xf32, #tpu.memory_space<hbm>> -> memref<32768xf32, #tpu.memory_space<hbm>>
    %dma_start3A_27 = tpu.memref_slice %arg2[%mul3A_25] : memref<8388608xf32, #tpu.memory_space<hbm>> -> memref<32768xf32, #tpu.memory_space<hbm>>
    tpu.enqueue_dma source(%dma_start3A_27 : memref<32768xf32, #tpu.memory_space<hbm>>) target(%arg7 : memref<32768xf32, #tpu.memory_space<vmem>>) target_semaphore(%arg12 : memref<!tpu.dma_semaphore, #tpu.memory_space<semaphore_mem>>)
    %dma_wait3A_28 = tpu.memref_slice %arg2[%mul3A_10] : memref<8388608xf32, #tpu.memory_space<hbm>> -> memref<32768xf32, #tpu.memory_space<hbm>>
    %dma_wait3A_29 = tpu.memref_slice %arg2[%mul3A_10] : memref<8388608xf32, #tpu.memory_space<hbm>> -> memref<32768xf32, #tpu.memory_space<hbm>>
    tpu.wait_dma2 semaphore(%arg10 : memref<!tpu.dma_semaphore, #tpu.memory_space<semaphore_mem>>) src(%dma_wait3A_29 : memref<32768xf32, #tpu.memory_space<hbm>>) dst(%arg5 : memref<32768xf32, #tpu.memory_space<vmem>>)
    %parallel_loop3A = arith.constant 0 : i32
    %parallel_loop3A_30 = arith.constant 2048 : i32
    %parallel_loop3A_31 = arith.constant 16 : i32
    scf.for %parallel_loop3A_161 = %parallel_loop3A to %parallel_loop3A_30 step %parallel_loop3A_31  : i32 {
      %parallel_loop3A_162 = arith.constant 0 : i32
      %parallel_loop3A_163 = arith.index_cast %parallel_loop3A_162 : i32 to index
      %parallel_loop3A_164 = arith.index_cast %parallel_loop3A_161 : i32 to index
      %parallel_loop3A_165 = tpu.vector_load %arg8[%parallel_loop3A_163, %parallel_loop3A_164] {strides = array<i32>} : memref<8x2048xi32, #tpu.memory_space<vmem>>, vector<16xi32>,
      tpu.vector_store_idx %arg5[%parallel_loop3A_165], %broadcast_in_dim3A_3 : memref<32768xf32, #tpu.memory_space<vmem>>[vector<16xi32>], vector<16xf32>,
    } {sc.loop_unroll_factor = 8 : i64, sc.parallel_access}
    %add3A_32 = arith.constant 0 : i32
    %add3A_33 = arith.addi %mul3A_2, %add3A_32 : i32
    %mul3A_34 = arith.constant 32768 : i32
    %mul3A_35 = arith.muli %add3A_33, %mul3A_34 : i32
    %dma_start3A_36 = tpu.memref_slice %arg4[%mul3A_35] : memref<8388608xf32, #tpu.memory_space<hbm>> -> memref<32768xf32, #tpu.memory_space<hbm>>
    %dma_start3A_37 = tpu.memref_slice %arg4[%mul3A_35] : memref<8388608xf32, #tpu.memory_space<hbm>> -> memref<32768xf32, #tpu.memory_space<hbm>>
    tpu.enqueue_dma source(%arg5 : memref<32768xf32, #tpu.memory_space<vmem>>) target(%dma_start3A_37 : memref<32768xf32, #tpu.memory_space<hbm>>) target_semaphore(%arg13 : memref<!tpu.dma_semaphore, #tpu.memory_space<semaphore_mem>>)
    %dma_wait3A_38 = tpu.memref_slice %arg4[%mul3A_35] : memref<8388608xf32, #tpu.memory_space<hbm>> -> memref<32768xf32, #tpu.memory_space<hbm>>
    %dma_wait3A_39 = tpu.memref_slice %arg4[%mul3A_35] : memref<8388608xf32, #tpu.memory_space<hbm>> -> memref<32768xf32, #tpu.memory_space<hbm>>
    tpu.wait_dma2 semaphore(%arg13 : memref<!tpu.dma_semaphore, #tpu.memory_space<semaphore_mem>>) src(%arg5 : memref<32768xf32, #tpu.memory_space<vmem>>) dst(%dma_wait3A_39 : memref<32768xf32, #tpu.memory_space<hbm>>)
    %add3A_40 = arith.constant 3 : i32
    %add3A_41 = arith.addi %mul3A_2, %add3A_40 : i32
    %mul3A_42 = arith.constant 32768 : i32
    %mul3A_43 = arith.muli %add3A_41, %mul3A_42 : i32
    %dma_start3A_44 = tpu.memref_slice %arg2[%mul3A_43] : memref<8388608xf32, #tpu.memory_space<hbm>> -> memref<32768xf32, #tpu.memory_space<hbm>>
    %dma_start3A_45 = tpu.memref_slice %arg2[%mul3A_43] : memref<8388608xf32, #tpu.memory_space<hbm>> -> memref<32768xf32, #tpu.memory_space<hbm>>
    tpu.enqueue_dma source(%dma_start3A_45 : memref<32768xf32, #tpu.memory_space<hbm>>) target(%arg5 : memref<32768xf32, #tpu.memory_space<vmem>>) target_semaphore(%arg10 : memref<!tpu.dma_semaphore, #tpu.memory_space<semaphore_mem>>)
    %dma_wait3A_46 = tpu.memref_slice %arg2[%mul3A_16] : memref<8388608xf32, #tpu.memory_space<hbm>> -> memref<32768xf32, #tpu.memory_space<hbm>>
    %dma_wait3A_47 = tpu.memref_slice %arg2[%mul3A_16] : memref<8388608xf32, #tpu.memory_space<hbm>> -> memref<32768xf32, #tpu.memory_space<hbm>>
    tpu.wait_dma2 semaphore(%arg11 : memref<!tpu.dma_semaphore, #tpu.memory_space<semaphore_mem>>) src(%dma_wait3A_47 : memref<32768xf32, #tpu.memory_space<hbm>>) dst(%arg6 : memref<32768xf32, #tpu.memory_space<vmem>>)
    %parallel_loop3A_48 = arith.constant 0 : i32
    %parallel_loop3A_49 = arith.constant 2048 : i32
    %parallel_loop3A_50 = arith.constant 16 : i32
    scf.for %parallel_loop3A_161 = %parallel_loop3A_48 to %parallel_loop3A_49 step %parallel_loop3A_50  : i32 {
      %parallel_loop3A_162 = arith.constant 1 : i32
      %parallel_loop3A_163 = arith.index_cast %parallel_loop3A_162 : i32 to index
      %parallel_loop3A_164 = arith.index_cast %parallel_loop3A_161 : i32 to index
      %parallel_loop3A_165 = tpu.vector_load %arg8[%parallel_loop3A_163, %parallel_loop3A_164] {strides = array<i32>} : memref<8x2048xi32, #tpu.memory_space<vmem>>, vector<16xi32>,
      tpu.vector_store_idx %arg6[%parallel_loop3A_165], %broadcast_in_dim3A_3 : memref<32768xf32, #tpu.memory_space<vmem>>[vector<16xi32>], vector<16xf32>,
    } {sc.loop_unroll_factor = 8 : i64, sc.parallel_access}
    %add3A_51 = arith.constant 1 : i32
    %add3A_52 = arith.addi %mul3A_2, %add3A_51 : i32
    %mul3A_53 = arith.constant 32768 : i32
    %mul3A_54 = arith.muli %add3A_52, %mul3A_53 : i32
    %dma_start3A_55 = tpu.memref_slice %arg4[%mul3A_54] : memref<8388608xf32, #tpu.memory_space<hbm>> -> memref<32768xf32, #tpu.memory_space<hbm>>
    %dma_start3A_56 = tpu.memref_slice %arg4[%mul3A_54] : memref<8388608xf32, #tpu.memory_space<hbm>> -> memref<32768xf32, #tpu.memory_space<hbm>>
    tpu.enqueue_dma source(%arg6 : memref<32768xf32, #tpu.memory_space<vmem>>) target(%dma_start3A_56 : memref<32768xf32, #tpu.memory_space<hbm>>) target_semaphore(%arg14 : memref<!tpu.dma_semaphore, #tpu.memory_space<semaphore_mem>>)
    %dma_wait3A_57 = tpu.memref_slice %arg4[%mul3A_54] : memref<8388608xf32, #tpu.memory_space<hbm>> -> memref<32768xf32, #tpu.memory_space<hbm>>
    %dma_wait3A_58 = tpu.memref_slice %arg4[%mul3A_54] : memref<8388608xf32, #tpu.memory_space<hbm>> -> memref<32768xf32, #tpu.memory_space<hbm>>
    tpu.wait_dma2 semaphore(%arg14 : memref<!tpu.dma_semaphore, #tpu.memory_space<semaphore_mem>>) src(%arg6 : memref<32768xf32, #tpu.memory_space<vmem>>) dst(%dma_wait3A_58 : memref<32768xf32, #tpu.memory_space<hbm>>)
    %add3A_59 = arith.constant 4 : i32
    %add3A_60 = arith.addi %mul3A_2, %add3A_59 : i32
    %mul3A_61 = arith.constant 32768 : i32
    %mul3A_62 = arith.muli %add3A_60, %mul3A_61 : i32
    %dma_start3A_63 = tpu.memref_slice %arg2[%mul3A_62] : memref<8388608xf32, #tpu.memory_space<hbm>> -> memref<32768xf32, #tpu.memory_space<hbm>>
    %dma_start3A_64 = tpu.memref_slice %arg2[%mul3A_62] : memref<8388608xf32, #tpu.memory_space<hbm>> -> memref<32768xf32, #tpu.memory_space<hbm>>
    tpu.enqueue_dma source(%dma_start3A_64 : memref<32768xf32, #tpu.memory_space<hbm>>) target(%arg6 : memref<32768xf32, #tpu.memory_space<vmem>>) target_semaphore(%arg11 : memref<!tpu.dma_semaphore, #tpu.memory_space<semaphore_mem>>)
    %dma_wait3A_65 = tpu.memref_slice %arg2[%mul3A_25] : memref<8388608xf32, #tpu.memory_space<hbm>> -> memref<32768xf32, #tpu.memory_space<hbm>>
    %dma_wait3A_66 = tpu.memref_slice %arg2[%mul3A_25] : memref<8388608xf32, #tpu.memory_space<hbm>> -> memref<32768xf32, #tpu.memory_space<hbm>>
    tpu.wait_dma2 semaphore(%arg12 : memref<!tpu.dma_semaphore, #tpu.memory_space<semaphore_mem>>) src(%dma_wait3A_66 : memref<32768xf32, #tpu.memory_space<hbm>>) dst(%arg7 : memref<32768xf32, #tpu.memory_space<vmem>>)
    %parallel_loop3A_67 = arith.constant 0 : i32
    %parallel_loop3A_68 = arith.constant 2048 : i32
    %parallel_loop3A_69 = arith.constant 16 : i32
    scf.for %parallel_loop3A_161 = %parallel_loop3A_67 to %parallel_loop3A_68 step %parallel_loop3A_69  : i32 {
      %parallel_loop3A_162 = arith.constant 2 : i32
      %parallel_loop3A_163 = arith.index_cast %parallel_loop3A_162 : i32 to index
      %parallel_loop3A_164 = arith.index_cast %parallel_loop3A_161 : i32 to index
      %parallel_loop3A_165 = tpu.vector_load %arg8[%parallel_loop3A_163, %parallel_loop3A_164] {strides = array<i32>} : memref<8x2048xi32, #tpu.memory_space<vmem>>, vector<16xi32>,
      tpu.vector_store_idx %arg7[%parallel_loop3A_165], %broadcast_in_dim3A_3 : memref<32768xf32, #tpu.memory_space<vmem>>[vector<16xi32>], vector<16xf32>,
    } {sc.loop_unroll_factor = 8 : i64, sc.parallel_access}
    %add3A_70 = arith.constant 2 : i32
    %add3A_71 = arith.addi %mul3A_2, %add3A_70 : i32
    %mul3A_72 = arith.constant 32768 : i32
    %mul3A_73 = arith.muli %add3A_71, %mul3A_72 : i32
    %dma_start3A_74 = tpu.memref_slice %arg4[%mul3A_73] : memref<8388608xf32, #tpu.memory_space<hbm>> -> memref<32768xf32, #tpu.memory_space<hbm>>
    %dma_start3A_75 = tpu.memref_slice %arg4[%mul3A_73] : memref<8388608xf32, #tpu.memory_space<hbm>> -> memref<32768xf32, #tpu.memory_space<hbm>>
    tpu.enqueue_dma source(%arg7 : memref<32768xf32, #tpu.memory_space<vmem>>) target(%dma_start3A_75 : memref<32768xf32, #tpu.memory_space<hbm>>) target_semaphore(%arg15 : memref<!tpu.dma_semaphore, #tpu.memory_space<semaphore_mem>>)
    %dma_wait3A_76 = tpu.memref_slice %arg4[%mul3A_73] : memref<8388608xf32, #tpu.memory_space<hbm>> -> memref<32768xf32, #tpu.memory_space<hbm>>
    %dma_wait3A_77 = tpu.memref_slice %arg4[%mul3A_73] : memref<8388608xf32, #tpu.memory_space<hbm>> -> memref<32768xf32, #tpu.memory_space<hbm>>
    tpu.wait_dma2 semaphore(%arg15 : memref<!tpu.dma_semaphore, #tpu.memory_space<semaphore_mem>>) src(%arg7 : memref<32768xf32, #tpu.memory_space<vmem>>) dst(%dma_wait3A_77 : memref<32768xf32, #tpu.memory_space<hbm>>)
    %add3A_78 = arith.constant 5 : i32
    %add3A_79 = arith.addi %mul3A_2, %add3A_78 : i32
    %mul3A_80 = arith.constant 32768 : i32
    %mul3A_81 = arith.muli %add3A_79, %mul3A_80 : i32
    %dma_start3A_82 = tpu.memref_slice %arg2[%mul3A_81] : memref<8388608xf32, #tpu.memory_space<hbm>> -> memref<32768xf32, #tpu.memory_space<hbm>>
    %dma_start3A_83 = tpu.memref_slice %arg2[%mul3A_81] : memref<8388608xf32, #tpu.memory_space<hbm>> -> memref<32768xf32, #tpu.memory_space<hbm>>
    tpu.enqueue_dma source(%dma_start3A_83 : memref<32768xf32, #tpu.memory_space<hbm>>) target(%arg7 : memref<32768xf32, #tpu.memory_space<vmem>>) target_semaphore(%arg12 : memref<!tpu.dma_semaphore, #tpu.memory_space<semaphore_mem>>)
    %dma_wait3A_84 = tpu.memref_slice %arg2[%mul3A_43] : memref<8388608xf32, #tpu.memory_space<hbm>> -> memref<32768xf32, #tpu.memory_space<hbm>>
    %dma_wait3A_85 = tpu.memref_slice %arg2[%mul3A_43] : memref<8388608xf32, #tpu.memory_space<hbm>> -> memref<32768xf32, #tpu.memory_space<hbm>>
    tpu.wait_dma2 semaphore(%arg10 : memref<!tpu.dma_semaphore, #tpu.memory_space<semaphore_mem>>) src(%dma_wait3A_85 : memref<32768xf32, #tpu.memory_space<hbm>>) dst(%arg5 : memref<32768xf32, #tpu.memory_space<vmem>>)
    %parallel_loop3A_86 = arith.constant 0 : i32
    %parallel_loop3A_87 = arith.constant 2048 : i32
    %parallel_loop3A_88 = arith.constant 16 : i32
    scf.for %parallel_loop3A_161 = %parallel_loop3A_86 to %parallel_loop3A_87 step %parallel_loop3A_88  : i32 {
      %parallel_loop3A_162 = arith.constant 3 : i32
      %parallel_loop3A_163 = arith.index_cast %parallel_loop3A_162 : i32 to index
      %parallel_loop3A_164 = arith.index_cast %parallel_loop3A_161 : i32 to index
      %parallel_loop3A_165 = tpu.vector_load %arg8[%parallel_loop3A_163, %parallel_loop3A_164] {strides = array<i32>} : memref<8x2048xi32, #tpu.memory_space<vmem>>, vector<16xi32>,
      tpu.vector_store_idx %arg5[%parallel_loop3A_165], %broadcast_in_dim3A_3 : memref<32768xf32, #tpu.memory_space<vmem>>[vector<16xi32>], vector<16xf32>,
    } {sc.loop_unroll_factor = 8 : i64, sc.parallel_access}
    %add3A_89 = arith.constant 3 : i32
    %add3A_90 = arith.addi %mul3A_2, %add3A_89 : i32
    %mul3A_91 = arith.constant 32768 : i32
    %mul3A_92 = arith.muli %add3A_90, %mul3A_91 : i32
    %dma_start3A_93 = tpu.memref_slice %arg4[%mul3A_92] : memref<8388608xf32, #tpu.memory_space<hbm>> -> memref<32768xf32, #tpu.memory_space<hbm>>
    %dma_start3A_94 = tpu.memref_slice %arg4[%mul3A_92] : memref<8388608xf32, #tpu.memory_space<hbm>> -> memref<32768xf32, #tpu.memory_space<hbm>>
    tpu.enqueue_dma source(%arg5 : memref<32768xf32, #tpu.memory_space<vmem>>) target(%dma_start3A_94 : memref<32768xf32, #tpu.memory_space<hbm>>) target_semaphore(%arg13 : memref<!tpu.dma_semaphore, #tpu.memory_space<semaphore_mem>>)
    %dma_wait3A_95 = tpu.memref_slice %arg4[%mul3A_92] : memref<8388608xf32, #tpu.memory_space<hbm>> -> memref<32768xf32, #tpu.memory_space<hbm>>
    %dma_wait3A_96 = tpu.memref_slice %arg4[%mul3A_92] : memref<8388608xf32, #tpu.memory_space<hbm>> -> memref<32768xf32, #tpu.memory_space<hbm>>
    tpu.wait_dma2 semaphore(%arg13 : memref<!tpu.dma_semaphore, #tpu.memory_space<semaphore_mem>>) src(%arg5 : memref<32768xf32, #tpu.memory_space<vmem>>) dst(%dma_wait3A_96 : memref<32768xf32, #tpu.memory_space<hbm>>)
    %add3A_97 = arith.constant 6 : i32
    %add3A_98 = arith.addi %mul3A_2, %add3A_97 : i32
    %mul3A_99 = arith.constant 32768 : i32
    %mul3A_100 = arith.muli %add3A_98, %mul3A_99 : i32
    %dma_start3A_101 = tpu.memref_slice %arg2[%mul3A_100] : memref<8388608xf32, #tpu.memory_space<hbm>> -> memref<32768xf32, #tpu.memory_space<hbm>>
    %dma_start3A_102 = tpu.memref_slice %arg2[%mul3A_100] : memref<8388608xf32, #tpu.memory_space<hbm>> -> memref<32768xf32, #tpu.memory_space<hbm>>
    tpu.enqueue_dma source(%dma_start3A_102 : memref<32768xf32, #tpu.memory_space<hbm>>) target(%arg5 : memref<32768xf32, #tpu.memory_space<vmem>>) target_semaphore(%arg10 : memref<!tpu.dma_semaphore, #tpu.memory_space<semaphore_mem>>)
    %dma_wait3A_103 = tpu.memref_slice %arg2[%mul3A_62] : memref<8388608xf32, #tpu.memory_space<hbm>> -> memref<32768xf32, #tpu.memory_space<hbm>>
    %dma_wait3A_104 = tpu.memref_slice %arg2[%mul3A_62] : memref<8388608xf32, #tpu.memory_space<hbm>> -> memref<32768xf32, #tpu.memory_space<hbm>>
    tpu.wait_dma2 semaphore(%arg11 : memref<!tpu.dma_semaphore, #tpu.memory_space<semaphore_mem>>) src(%dma_wait3A_104 : memref<32768xf32, #tpu.memory_space<hbm>>) dst(%arg6 : memref<32768xf32, #tpu.memory_space<vmem>>)
    %parallel_loop3A_105 = arith.constant 0 : i32
    %parallel_loop3A_106 = arith.constant 2048 : i32
    %parallel_loop3A_107 = arith.constant 16 : i32
    scf.for %parallel_loop3A_161 = %parallel_loop3A_105 to %parallel_loop3A_106 step %parallel_loop3A_107  : i32 {
      %parallel_loop3A_162 = arith.constant 4 : i32
      %parallel_loop3A_163 = arith.index_cast %parallel_loop3A_162 : i32 to index
      %parallel_loop3A_164 = arith.index_cast %parallel_loop3A_161 : i32 to index
      %parallel_loop3A_165 = tpu.vector_load %arg8[%parallel_loop3A_163, %parallel_loop3A_164] {strides = array<i32>} : memref<8x2048xi32, #tpu.memory_space<vmem>>, vector<16xi32>,
      tpu.vector_store_idx %arg6[%parallel_loop3A_165], %broadcast_in_dim3A_3 : memref<32768xf32, #tpu.memory_space<vmem>>[vector<16xi32>], vector<16xf32>,
    } {sc.loop_unroll_factor = 8 : i64, sc.parallel_access}
    %add3A_108 = arith.constant 4 : i32
    %add3A_109 = arith.addi %mul3A_2, %add3A_108 : i32
    %mul3A_110 = arith.constant 32768 : i32
    %mul3A_111 = arith.muli %add3A_109, %mul3A_110 : i32
    %dma_start3A_112 = tpu.memref_slice %arg4[%mul3A_111] : memref<8388608xf32, #tpu.memory_space<hbm>> -> memref<32768xf32, #tpu.memory_space<hbm>>
    %dma_start3A_113 = tpu.memref_slice %arg4[%mul3A_111] : memref<8388608xf32, #tpu.memory_space<hbm>> -> memref<32768xf32, #tpu.memory_space<hbm>>
    tpu.enqueue_dma source(%arg6 : memref<32768xf32, #tpu.memory_space<vmem>>) target(%dma_start3A_113 : memref<32768xf32, #tpu.memory_space<hbm>>) target_semaphore(%arg14 : memref<!tpu.dma_semaphore, #tpu.memory_space<semaphore_mem>>)
    %dma_wait3A_114 = tpu.memref_slice %arg4[%mul3A_111] : memref<8388608xf32, #tpu.memory_space<hbm>> -> memref<32768xf32, #tpu.memory_space<hbm>>
    %dma_wait3A_115 = tpu.memref_slice %arg4[%mul3A_111] : memref<8388608xf32, #tpu.memory_space<hbm>> -> memref<32768xf32, #tpu.memory_space<hbm>>
    tpu.wait_dma2 semaphore(%arg14 : memref<!tpu.dma_semaphore, #tpu.memory_space<semaphore_mem>>) src(%arg6 : memref<32768xf32, #tpu.memory_space<vmem>>) dst(%dma_wait3A_115 : memref<32768xf32, #tpu.memory_space<hbm>>)
    %add3A_116 = arith.constant 7 : i32
    %add3A_117 = arith.addi %mul3A_2, %add3A_116 : i32
    %mul3A_118 = arith.constant 32768 : i32
    %mul3A_119 = arith.muli %add3A_117, %mul3A_118 : i32
    %dma_start3A_120 = tpu.memref_slice %arg2[%mul3A_119] : memref<8388608xf32, #tpu.memory_space<hbm>> -> memref<32768xf32, #tpu.memory_space<hbm>>
    %dma_start3A_121 = tpu.memref_slice %arg2[%mul3A_119] : memref<8388608xf32, #tpu.memory_space<hbm>> -> memref<32768xf32, #tpu.memory_space<hbm>>
    tpu.enqueue_dma source(%dma_start3A_121 : memref<32768xf32, #tpu.memory_space<hbm>>) target(%arg6 : memref<32768xf32, #tpu.memory_space<vmem>>) target_semaphore(%arg11 : memref<!tpu.dma_semaphore, #tpu.memory_space<semaphore_mem>>)
    %dma_wait3A_122 = tpu.memref_slice %arg2[%mul3A_81] : memref<8388608xf32, #tpu.memory_space<hbm>> -> memref<32768xf32, #tpu.memory_space<hbm>>
    %dma_wait3A_123 = tpu.memref_slice %arg2[%mul3A_81] : memref<8388608xf32, #tpu.memory_space<hbm>> -> memref<32768xf32, #tpu.memory_space<hbm>>
    tpu.wait_dma2 semaphore(%arg12 : memref<!tpu.dma_semaphore, #tpu.memory_space<semaphore_mem>>) src(%dma_wait3A_123 : memref<32768xf32, #tpu.memory_space<hbm>>) dst(%arg7 : memref<32768xf32, #tpu.memory_space<vmem>>)
    %parallel_loop3A_124 = arith.constant 0 : i32
    %parallel_loop3A_125 = arith.constant 2048 : i32
    %parallel_loop3A_126 = arith.constant 16 : i32
    scf.for %parallel_loop3A_161 = %parallel_loop3A_124 to %parallel_loop3A_125 step %parallel_loop3A_126  : i32 {
      %parallel_loop3A_162 = arith.constant 5 : i32
      %parallel_loop3A_163 = arith.index_cast %parallel_loop3A_162 : i32 to index
      %parallel_loop3A_164 = arith.index_cast %parallel_loop3A_161 : i32 to index
      %parallel_loop3A_165 = tpu.vector_load %arg8[%parallel_loop3A_163, %parallel_loop3A_164] {strides = array<i32>} : memref<8x2048xi32, #tpu.memory_space<vmem>>, vector<16xi32>,
      tpu.vector_store_idx %arg7[%parallel_loop3A_165], %broadcast_in_dim3A_3 : memref<32768xf32, #tpu.memory_space<vmem>>[vector<16xi32>], vector<16xf32>,
    } {sc.loop_unroll_factor = 8 : i64, sc.parallel_access}
    %add3A_127 = arith.constant 5 : i32
    %add3A_128 = arith.addi %mul3A_2, %add3A_127 : i32
    %mul3A_129 = arith.constant 32768 : i32
    %mul3A_130 = arith.muli %add3A_128, %mul3A_129 : i32
    %dma_start3A_131 = tpu.memref_slice %arg4[%mul3A_130] : memref<8388608xf32, #tpu.memory_space<hbm>> -> memref<32768xf32, #tpu.memory_space<hbm>>
    %dma_start3A_132 = tpu.memref_slice %arg4[%mul3A_130] : memref<8388608xf32, #tpu.memory_space<hbm>> -> memref<32768xf32, #tpu.memory_space<hbm>>
    tpu.enqueue_dma source(%arg7 : memref<32768xf32, #tpu.memory_space<vmem>>) target(%dma_start3A_132 : memref<32768xf32, #tpu.memory_space<hbm>>) target_semaphore(%arg15 : memref<!tpu.dma_semaphore, #tpu.memory_space<semaphore_mem>>)
    %dma_wait3A_133 = tpu.memref_slice %arg2[%mul3A_100] : memref<8388608xf32, #tpu.memory_space<hbm>> -> memref<32768xf32, #tpu.memory_space<hbm>>
    %dma_wait3A_134 = tpu.memref_slice %arg2[%mul3A_100] : memref<8388608xf32, #tpu.memory_space<hbm>> -> memref<32768xf32, #tpu.memory_space<hbm>>
    tpu.wait_dma2 semaphore(%arg10 : memref<!tpu.dma_semaphore, #tpu.memory_space<semaphore_mem>>) src(%dma_wait3A_134 : memref<32768xf32, #tpu.memory_space<hbm>>) dst(%arg5 : memref<32768xf32, #tpu.memory_space<vmem>>)
    %parallel_loop3A_135 = arith.constant 0 : i32
    %parallel_loop3A_136 = arith.constant 2048 : i32
    %parallel_loop3A_137 = arith.constant 16 : i32
    scf.for %parallel_loop3A_161 = %parallel_loop3A_135 to %parallel_loop3A_136 step %parallel_loop3A_137  : i32 {
      %parallel_loop3A_162 = arith.constant 6 : i32
      %parallel_loop3A_163 = arith.index_cast %parallel_loop3A_162 : i32 to index
      %parallel_loop3A_164 = arith.index_cast %parallel_loop3A_161 : i32 to index
      %parallel_loop3A_165 = tpu.vector_load %arg8[%parallel_loop3A_163, %parallel_loop3A_164] {strides = array<i32>} : memref<8x2048xi32, #tpu.memory_space<vmem>>, vector<16xi32>,
      tpu.vector_store_idx %arg5[%parallel_loop3A_165], %broadcast_in_dim3A_3 : memref<32768xf32, #tpu.memory_space<vmem>>[vector<16xi32>], vector<16xf32>,
    } {sc.loop_unroll_factor = 8 : i64, sc.parallel_access}
    %add3A_138 = arith.constant 6 : i32
    %add3A_139 = arith.addi %mul3A_2, %add3A_138 : i32
    %mul3A_140 = arith.constant 32768 : i32
    %mul3A_141 = arith.muli %add3A_139, %mul3A_140 : i32
    %dma_start3A_142 = tpu.memref_slice %arg4[%mul3A_141] : memref<8388608xf32, #tpu.memory_space<hbm>> -> memref<32768xf32, #tpu.memory_space<hbm>>
    %dma_start3A_143 = tpu.memref_slice %arg4[%mul3A_141] : memref<8388608xf32, #tpu.memory_space<hbm>> -> memref<32768xf32, #tpu.memory_space<hbm>>
    tpu.enqueue_dma source(%arg5 : memref<32768xf32, #tpu.memory_space<vmem>>) target(%dma_start3A_143 : memref<32768xf32, #tpu.memory_space<hbm>>) target_semaphore(%arg13 : memref<!tpu.dma_semaphore, #tpu.memory_space<semaphore_mem>>)
    %dma_wait3A_144 = tpu.memref_slice %arg2[%mul3A_119] : memref<8388608xf32, #tpu.memory_space<hbm>> -> memref<32768xf32, #tpu.memory_space<hbm>>
    %dma_wait3A_145 = tpu.memref_slice %arg2[%mul3A_119] : memref<8388608xf32, #tpu.memory_space<hbm>> -> memref<32768xf32, #tpu.memory_space<hbm>>
    tpu.wait_dma2 semaphore(%arg11 : memref<!tpu.dma_semaphore, #tpu.memory_space<semaphore_mem>>) src(%dma_wait3A_145 : memref<32768xf32, #tpu.memory_space<hbm>>) dst(%arg6 : memref<32768xf32, #tpu.memory_space<vmem>>)
    %parallel_loop3A_146 = arith.constant 0 : i32
    %parallel_loop3A_147 = arith.constant 2048 : i32
    %parallel_loop3A_148 = arith.constant 16 : i32
    scf.for %parallel_loop3A_161 = %parallel_loop3A_146 to %parallel_loop3A_147 step %parallel_loop3A_148  : i32 {
      %parallel_loop3A_162 = arith.constant 7 : i32
      %parallel_loop3A_163 = arith.index_cast %parallel_loop3A_162 : i32 to index
      %parallel_loop3A_164 = arith.index_cast %parallel_loop3A_161 : i32 to index
      %parallel_loop3A_165 = tpu.vector_load %arg8[%parallel_loop3A_163, %parallel_loop3A_164] {strides = array<i32>} : memref<8x2048xi32, #tpu.memory_space<vmem>>, vector<16xi32>,
      tpu.vector_store_idx %arg6[%parallel_loop3A_165], %broadcast_in_dim3A_3 : memref<32768xf32, #tpu.memory_space<vmem>>[vector<16xi32>], vector<16xf32>,
    } {sc.loop_unroll_factor = 8 : i64, sc.parallel_access}
    %add3A_149 = arith.constant 7 : i32
    %add3A_150 = arith.addi %mul3A_2, %add3A_149 : i32
    %mul3A_151 = arith.constant 32768 : i32
    %mul3A_152 = arith.muli %add3A_150, %mul3A_151 : i32
    %dma_start3A_153 = tpu.memref_slice %arg4[%mul3A_152] : memref<8388608xf32, #tpu.memory_space<hbm>> -> memref<32768xf32, #tpu.memory_space<hbm>>
    %dma_start3A_154 = tpu.memref_slice %arg4[%mul3A_152] : memref<8388608xf32, #tpu.memory_space<hbm>> -> memref<32768xf32, #tpu.memory_space<hbm>>
    tpu.enqueue_dma source(%arg6 : memref<32768xf32, #tpu.memory_space<vmem>>) target(%dma_start3A_154 : memref<32768xf32, #tpu.memory_space<hbm>>) target_semaphore(%arg14 : memref<!tpu.dma_semaphore, #tpu.memory_space<semaphore_mem>>)
    %dma_wait3A_155 = tpu.memref_slice %arg4[%mul3A_130] : memref<8388608xf32, #tpu.memory_space<hbm>> -> memref<32768xf32, #tpu.memory_space<hbm>>
    %dma_wait3A_156 = tpu.memref_slice %arg4[%mul3A_130] : memref<8388608xf32, #tpu.memory_space<hbm>> -> memref<32768xf32, #tpu.memory_space<hbm>>
    tpu.wait_dma2 semaphore(%arg15 : memref<!tpu.dma_semaphore, #tpu.memory_space<semaphore_mem>>) src(%arg7 : memref<32768xf32, #tpu.memory_space<vmem>>) dst(%dma_wait3A_156 : memref<32768xf32, #tpu.memory_space<hbm>>)
    %dma_wait3A_157 = tpu.memref_slice %arg4[%mul3A_141] : memref<8388608xf32, #tpu.memory_space<hbm>> -> memref<32768xf32, #tpu.memory_space<hbm>>
    %dma_wait3A_158 = tpu.memref_slice %arg4[%mul3A_141] : memref<8388608xf32, #tpu.memory_space<hbm>> -> memref<32768xf32, #tpu.memory_space<hbm>>
    tpu.wait_dma2 semaphore(%arg13 : memref<!tpu.dma_semaphore, #tpu.memory_space<semaphore_mem>>) src(%arg5 : memref<32768xf32, #tpu.memory_space<vmem>>) dst(%dma_wait3A_158 : memref<32768xf32, #tpu.memory_space<hbm>>)
    %dma_wait3A_159 = tpu.memref_slice %arg4[%mul3A_152] : memref<8388608xf32, #tpu.memory_space<hbm>> -> memref<32768xf32, #tpu.memory_space<hbm>>
    %dma_wait3A_160 = tpu.memref_slice %arg4[%mul3A_152] : memref<8388608xf32, #tpu.memory_space<hbm>> -> memref<32768xf32, #tpu.memory_space<hbm>>
    tpu.wait_dma2 semaphore(%arg14 : memref<!tpu.dma_semaphore, #tpu.memory_space<semaphore_mem>>) src(%arg6 : memref<32768xf32, #tpu.memory_space<vmem>>) dst(%dma_wait3A_160 : memref<32768xf32, #tpu.memory_space<hbm>>)
    return
  }
}

</mosaic_0001>

<sc_bundles>
// kernel: kernel.3.cloned.1.call-start
scs
__scs_entry_jumppad:
0x0: {  	(pc) =	sbr.rel $0x88, $3  }
0x1: {  	(tag) =	ssettag $0x0;
	lr =	simm.s32 $0x1  }
0x2: {  	[smem:$0x3F9F] =	sst lr;
	_ =	strace $0xD0000000  }
0x3: {  	_ = 	snop  }
0x4: {  	_ = 	snop  }
0x5: {  	_ = 	snop  }
0x6: {  	_ = 	snop  }
0x7: {  	_ = 	snop  }
__scs_overlays_trampoline_lowered:
0x8: {  	[smem:$0x3FAE] =	sst s0  }
0x9: {  	[smem:$0x3FAF] =	sst s1  }
0xa: {  	[smem:$0x3FB0] =	sst s2  }
0xb: {  	[smem:$0x3FB1] =	sst s3  }
0xc: {  	[smem:$0x3FB2] =	sst s4  }
0xd: {  	[smem:$0x3FB3] =	sst s5  }
0xe: {  	[smem:$0x3FB4] =	sst s6  }
0xf: {  	[smem:$0x3FB5] =	sst s7  }
0x10: {  	[smem:$0x3FB6] =	sst s8  }
0x11: {  	[smem:$0x3FB7] =	sst s9;
	s0 =	simm.s32 @!p0 $0x0  }
0x12: {  	s1 =	sld [smem:$0x3F9D];
	s0 =	simm.s32 @p0 $0x1  }
0x13: {  	[smem:$0x3FB8] =	sst s0;
	s0 =	simm.s32 @!p1 $0x0  }
0x14: {  	s2 =	sld [smem:$0x3F9C];
	s0 =	simm.s32 @p1 $0x1  }
0x15: {  	[smem:$0x3FB9] =	sst s0;
	s0 =	simm.s32 @!p2 $0x0  }
0x16: {  	s3 =	sld [smem:$0x3FDB];
	s0 =	simm.s32 @p2 $0x1  }
0x17: {  	s4 =	simm.s32 $0x1BF5;
	[smem:$0x3FBB] =	sst s0  }
0x18: {  	s0 =	sld [smem:$0x3F9E];
	_ =	swait.ge [sflag:s4], $0x0  }
0x19: {  	s7 =	sld [smem:$0x3F9F]  }
0x1a: {  	s8 =	sadd.s32 $0xFFFFE003, lr  }
0x1b: {  	s9 =	sadd.s32 $0xFFFFFEF7, lr;
	s5 =	simm.s32 $0xFFFFFFFF;
	p2 =	slt.u32 s8, $0xFFFFF086  }
0x1c: {  	p1 =	slt.u32 s9, $0xF7A;
	s5 =	simm.s32 @!p2 $0x0  }
0x1d: {  	s5 =	simm.s32 @p1 $0x1;
	p0 =	seq.s32 s7, s2  }
0x1e: {  	s7 =	smul.u32 @!p0 $0xF7A, s2;
	p2 =	seq.s32 @!p0 s5, $0x0  }
0x1f: {  	s9 =	smul.u32 $0xF7A, s1;
	s8 =	simm.s32 @!p0 $0x1BF5;
	p2 =	por !p2, p0  }
0x20: {  	[sflag:s8] =	ssyncset.s32 @!p0 $0xFFFFF086;
	s6 =	sadd.s32 @!p0 s3, s7;
	s7 =	simm.s32 @!p0 $0x108  }
0x21: {  	s3 =	sadd.s32 s3, s9;
	s6 =	sadd.s32 @!p0 $0x88, s6;
	s7 =	simm.s32 @p2 $0x1082  }
0x22: {  	[simem:s7], [sflag:s8] =	dma.local @!p0 [hbm:s6], $0xF7A  }
0x23: {  	s9 =	sor.u32 $0xD0000000, s2;
	s6 =	simm.s32 $0x108;
	_ =	swait.ge @!p0 [sflag:s8], $0x0  }
0x24: {  	s3 =	sadd.s32 $0x88, s3;
	s6 =	simm.s32 @!p1 $0x1082;
	[sflag:s4] =	ssyncset.s32 $0xFFFFF086  }
0x25: {  	[simem:s6], [sflag:s4] =	dma.local [hbm:s3], $0xF7A  }
0x26: {  	[smem:$0x3F9F] =	sst s1;
	(tag) =	ssettag s2;
	_ =	strace s9  }
0x27: {  	s1 =	sld [smem:$0x3FAF]  }
0x28: {  	s2 =	sld [smem:$0x3FB0]  }
0x29: {  	s4 =	sld [smem:$0x3FB2]  }
0x2a: {  	p0 =	seq.s32 s5, $0x0;
	s5 =	sld [smem:$0x3FB3]  }
0x2b: {  	s6 =	sld [smem:$0x3FB4]  }
0x2c: {  	s7 =	sld [smem:$0x3FB5]  }
0x2d: {  	s3 =	simm.s32 $0x108;
	s8 =	sld [smem:$0x3FB6]  }
0x2e: {  	s3 =	simm.s32 @!p0 $0x1082;
	s9 =	sld [smem:$0x3FB7]  }
0x2f: {  	lr =	sadd.s32 s0, s3;
	s0 =	sld [smem:$0x3FAE]  }
0x30: {  	s3 =	sld [smem:$0x3FB1]  }
0x31: {  	[smem:$0x3FBA] =	sst s10  }
0x32: {  	s10 =	sld [smem:$0x3FB8];
	_ =	sdelay $0x3  }
0x33: {  	p0 =	seq.s32 s10, $0x1;
	s10 =	sld [smem:$0x3FBA];
	_ =	sdelay $0x3  }
0x34: {  	[smem:$0x3FBA] =	sst s10  }
0x35: {  	s10 =	sld [smem:$0x3FB9];
	_ =	sdelay $0x3  }
0x36: {  	p1 =	seq.s32 s10, $0x1;
	s10 =	sld [smem:$0x3FBA];
	_ =	sdelay $0x3  }
0x37: {  	[smem:$0x3FBA] =	sst s10  }
0x38: {  	s10 =	sld [smem:$0x3FBB]  }
0x39: {  	_ = 	snop;
	(pc) =	sbr.ind lr, $3  }
0x3a: {  	_ = 	snop  }
0x3b: {  	_ = 	snop  }
0x3c: {  	p2 =	seq.s32 s10, $0x1;
	s10 =	sld [smem:$0x3FBA]  }
0x3d: {  	_ =	shalt  }
0x3e: {  	_ =	shalt  }
0x3f: {  	_ =	shalt  }
0x40: {  	_ =	shalt  }
0x41: {  	_ =	shalt  }
0x42: {  	_ =	shalt  }
0x43: {  	_ =	shalt  }
0x44: {  	_ =	shalt  }
0x45: {  	_ =	shalt  }
0x46: {  	_ =	shalt  }
0x47: {  	_ =	shalt  }
0x48: {  	_ =	shalt  }
0x49: {  	_ =	shalt  }
0x4a: {  	_ =	shalt  }
0x4b: {  	_ =	shalt  }
0x4c: {  	_ =	shalt  }
0x4d: {  	_ =	shalt  }
0x4e: {  	_ =	shalt  }
0x4f: {  	_ =	shalt  }
0x50: {  	_ =	shalt  }
0x51: {  	_ =	shalt  }
0x52: {  	_ =	shalt  }
0x53: {  	_ =	shalt  }
0x54: {  	_ =	shalt  }
0x55: {  	_ =	shalt  }
0x56: {  	_ =	shalt  }
0x57: {  	_ =	shalt  }
0x58: {  	_ =	shalt  }
0x59: {  	_ =	shalt  }
0x5a: {  	_ =	shalt  }
0x5b: {  	_ =	shalt  }
0x5c: {  	_ =	shalt  }
0x5d: {  	_ =	shalt  }
0x5e: {  	_ =	shalt  }
0x5f: {  	_ =	shalt  }
0x60: {  	_ =	shalt  }
0x61: {  	_ =	shalt  }
0x62: {  	_ =	shalt  }
0x63: {  	_ =	shalt  }
0x64: {  	_ =	shalt  }
0x65: {  	_ =	shalt  }
0x66: {  	_ =	shalt  }
0x67: {  	_ =	shalt  }
0x68: {  	_ =	shalt  }
0x69: {  	_ =	shalt  }
0x6a: {  	_ =	shalt  }
0x6b: {  	_ =	shalt  }
0x6c: {  	_ =	shalt  }
0x6d: {  	_ =	shalt  }
0x6e: {  	_ =	shalt  }
0x6f: {  	_ =	shalt  }
0x70: {  	_ =	shalt  }
0x71: {  	_ =	shalt  }
0x72: {  	_ =	shalt  }
0x73: {  	_ =	shalt  }
0x74: {  	_ =	shalt  }
0x75: {  	_ =	shalt  }
0x76: {  	_ =	shalt  }
0x77: {  	_ =	shalt  }
0x78: {  	_ =	shalt  }
0x79: {  	_ =	shalt  }
0x7a: {  	_ =	shalt  }
0x7b: {  	_ =	shalt  }
0x7c: {  	_ =	shalt  }
0x7d: {  	_ =	shalt  }
0x7e: {  	_ =	shalt  }
0x7f: {  	_ =	shalt  }
0x80: {  	_ =	shalt  }
0x81: {  	_ =	shalt  }
0x82: {  	_ =	shalt  }
0x83: {  	_ =	shalt  }
0x84: {  	_ =	shalt  }
0x85: {  	_ =	shalt  }
0x86: {  	_ =	shalt  }
0x87: {  	_ =	shalt  }
.Lfunc_end0:
.L_simem_size_0:
called_computation_lowered:
.L_overlay_start_0:
0x88: {  	s2 =	sld [smem:$0x3FD9]  }
0x89: {  	s3 =	sld [smem:$0x3FFE];
	_ =	sdelay $0x1  }
0x8a: {  	s1 =	srdreg.scid  }
0x8b: {  	s0 =	sand.u32 $0x1, s1  }
0x8c: {  	s18 =	sshll.u32 s0, $0xA;
	s2 =	sadd.s32 s3, s2  }
0x8d: {  	s2 =	sadd.s32 s2, s18  }
0x8e: {  	[smem:$0x3FC6] =	sst s2  }
0x8f: {  	_ = 	snop  }
0x90: {  	s2 =	sld [smem:$0x3FC9]  }
0x91: {  	s19 =	sld [smem:$0x3FC8]  }
0x92: {  	s4 =	sld [smem:$0x3FD0];
	(tm) =	ssettm $0x1  }
0x93: {  	s5 =	sld [smem:$0x3FFB];
	_ =	sdelay $0x3  }
0x94: {  	_ =	strace s5  }
0x95: {  	s5 =	sld [smem:$0x3FFC];
	_ =	sdelay $0x3  }
0x96: {  	_ =	strace s5  }
0x97: {  	s5 =	sld [smem:$0x3FFD];
	_ =	sdelay $0x3  }
0x98: {  	_ =	strace s5  }
0x99: {  	_ =	strace $0x8FFFFFFF  }
0x9a: {  	s20 =	sld [smem:$0x3FDB];
	_ =	sdelay $0x1  }
0x9b: {  	s6 =	simm.s32 $_scs_section_size  }
0x9c: {  	s7 =	simm.s32 $_size__tile_overlayer_lowered;
	s8 =	simm.s32 $_tile_overlayer_lowered  }
0x9d: {  	s23 =	simm.s32 $0x1BFF;
	s22 =	sshll.u32 s8, $0x1;
	s5 =	sadd.s32 s6, s20  }
0x9e: {  	s9 =	simm.s32 $0x0;
	s21 =	sshll.u32 s7, $0x1;
	s7 =	sadd.s32 s22, s5  }
0x9f: {  	[timem:s9], [sflag:s23] =	dma.local [hbm:s7], s21  }
0xa0: {  	_ =	swait.ge [sflag:s23], s21  }
0xa1: {  	s6 =	ssub.s32 $0x0, s21;
	[sflag:s23] =	ssyncset.done $0x0  }
0xa2: {  	[sflag:s23] =	ssyncadd.s32 s6;
	_ =	sdelay $0x1  }
0xa3: {  	s24 =	simm.s32 $0x1B8B  }
0xa4: {  	_ =	swait.ge [sflag:s24], $0x1  }
0xa5: {  	[sflag:s24] =	ssyncset.done $0x0  }
0xa6: {  	s25 =	simm.s32 $0x1B8E;
	[sflag:s24] =	ssyncadd.s32 $0xFFFFFFFF  }
0xa7: {  	s26 =	simm.s32 $execute0_lowered;
	[smem:$0x3FD2] =	sst s25  }
0xa8: {  	s6 =	sshll.u32 s26, $0x1;
	_ =	strace $0x80000046;
	[dreg:$0x1] =	wrdreg $0xFFFFFFFF  }
0xa9: {  	s28 =	simm.s32 $_size_execute0_lowered;
	s5 =	sadd.s32 s5, s6;
	[dreg:$0x0] =	wrdreg $0x0  }
0xaa: {  	s6 =	sshll.u32 s28, $0x1;
	[dreg:$0x2] =	wrdreg s5  }
0xab: {  	[dreg:$0x3] =	wrdreg s6  }
0xac: {  	[dreg:$0x4] =	wrdreg $0xC0  }
0xad: {  	_ =	task [dreg:s9], $0x5FFFF  }
0xae: {  	[dreg:$0x1] =	wrdreg $0xFFFFFFFF  }
0xaf: {  	[dreg:$0x0] =	wrdreg $0x60  }
0xb0: {  	[dreg:$0x2] =	wrdreg s2  }
0xb1: {  	[dreg:$0x3] =	wrdreg s19  }
0xb2: {  	[dreg:$0x4] =	wrdreg s4  }
0xb3: {  	[dreg:$0x5] =	wrdreg $0x9  }
0xb4: {  	_ =	task.clear_ibuf [dreg:s9], $0x6FFFF;
	_ =	strace $0x90000046  }
0xb5: {  	s29 =	simm.s32 $0x9;
	_ =	strace $0x80000048  }
0xb6: {  	_ =	swait.ge [sflag:s29], $0x1  }
0xb7: {  	[sflag:s29] =	ssyncadd.s32 $0xFFFFFFFF  }
0xb8: {  	_ =	strace $0x90000048  }
0xb9: {  	_ =	sfence  }
0xba: {  	s30 =	sld [smem:$0x0];
	_ =	sdelay $0x2  }
0xbb: {  	s31 =	sshll.u32 s1, $0xD;
	s1 =	sshrl.u32 s1, $0x2  }
0xbc: {  	s3 =	sand.u32 $0x4000, s31;
	s1 =	sadd.s32 s1, s30  }
0xbd: {  	s0 =	sor.u32 s3, s0;
	s1 =	sshll.u32 s1, $0x11  }
0xbe: {  	s0 =	sor.u32 s1, s0  }
0xbf: {  	s0 =	sadd.s32 $0x8F2B, s0  }
0xc0: {  	[sflag:s0] =	ssyncadd.remote.s32 $0x1  }
0xc1: {  	_ =	sfence.sel $0xFFFF  }
0xc2: {  	[dreg:$0x0] =	wrdreg $0xFFFFFFFF;
	(pc) =	sbr.abs _section_cstart, $3  }
0xc3: {  	[dreg:$0x1] =	wrdreg $0xFFFFFFFF  }
0xc4: {  	_ =	task.clear_ibuf [dreg:s9], $0x2FFFF;
	_ =	strace $0x9FFFFFFF  }
0xc5: {  	(tm) =	ssettm $0x7FFFFFFF  }
tec
execute0_lowered:
.L_overlay_start_1:
0x0: {  	(tag) =	ssettag $0x1  }
0x1: {  	s0 =	rddreg [dreg:$0x0]  }
0x2: {  	s1 =	rddreg [dreg:$0x1]  }
0x3: {  	s19 =	rddreg [dreg:$0x2]  }
0x4: {  	s3 =	srdreg.scid;
	s2 =	simm.s32 $0x0;
	s5 =	stileid.u32  }
0x5: {  	s22 =	simm.s32 $0x8000;
	s23 =	simm.s32 $0x1;
	s28 =	simm.s32 $0x3  }
0x6: {  	s29 =	simm.s32 $0x6;
	s30 =	simm.s32 $0x4;
	s31 =	simm.s32 $0x7  }
0x7: {  	s3 =	sand.u32 $0x1, s3;
	[smem:$0x7FF] =	sst s2;
	s5 =	sshll.u32 s5, $0x1  }
0x8: {  	s4 =	ssub.s32 $0x2, s3;
	_ =	strace $0x80000047;
	s3 =	sor.u32 s3, s5  }
0x9: {  	s6 =	sshrl.u32 s4, $0x1;
	s24 =	sshll.u32 s3, $0xB;
	s14 =	sshll.u32 s3, $0xF  }
0xa: {  	s20 =	ssub.s32 s4, s6;
	s3 =	sadd.s32 s1, s24;
	s4 =	sadd.s32 s0, s14  }
0xb: {  	s25 =	sor.u32 $0x1000, s14;
	s11 =	sor.u32 $0x2000, s14;
	s13 =	sor.u32 $0x3000, s14  }
0xc: {  	s7 =	sadd.s32 s19, s14;
	s26 =	sor.u32 $0x4000, s14;
	s17 =	sor.u32 $0x5000, s14  }
0xd: {  	s18 =	sor.u32 $0x6000, s14;
	s21 =	sor.u32 $0x7000, s14;
	s24 =	simm.s32 $0x10000  }
0xe: {  	s5 =	sadd.s32 s0, s25;
	s6 =	sadd.s32 s0, s11;
	s8 =	sadd.s32 s0, s13  }
0xf: {  	s9 =	sadd.s32 s19, s25;
	s10 =	sadd.s32 s0, s26;
	s11 =	sadd.s32 s19, s11  }
0x10: {  	s12 =	sadd.s32 s0, s17;
	s13 =	sadd.s32 s19, s13;
	s14 =	sadd.s32 s0, s18  }
0x11: {  	s15 =	sadd.s32 s19, s26;
	s16 =	sadd.s32 s0, s21;
	s17 =	sadd.s32 s19, s17  }
0x12: {  	s18 =	sadd.s32 s19, s18;
	s19 =	sadd.s32 s19, s21;
	s20 =	smax.u32 s20, $0x1  }
0x13: {  	v0 =	vimm.f32 $0.0e+00;
	s25 =	simm.s32 $0x2;
	s26 =	simm.s32 $0x5;
	s0 =	simm.s32 $0x0  }
.LBB2_1:
0x14: {  	s1 =	simm.s32 $0x18000  }
0x15: {  	[tilespmem:s1], [sflag:$0x1] =	stream.linear.gather [hbm4b:s3+s2], $0x4000, $0x38;
	[tilespmem:$0x1C000] =	vst v63  }
0x16: {  	_ = 	snop  }
0x17: {  	[tilespmem:s2], [sflag:$0x2] =	stream.linear.gather [hbm4b:s4+s2], $0x8000, $0x38;
	[tilespmem:$0x1C000] =	vst v63  }
0x18: {  	_ = 	snop  }
0x19: {  	[tilespmem:s22], [sflag:$0x3] =	stream.linear.gather [hbm4b:s5+s2], $0x8000, $0x38;
	[tilespmem:$0x1C000] =	vst v63  }
0x1a: {  	_ =	swait.ge [sflag:s23], $0x4000  }
0x1b: {  	[sflag:s23] =	ssyncset.done $0x0  }
0x1c: {  	[sflag:s23] =	ssyncadd.s32 $0xFFFFC000  }
0x1d: {  	[tilespmem:s24], [sflag:$0x4] =	stream.linear.gather [hbm4b:s6+s2], $0x8000, $0x38;
	[tilespmem:$0x1C000] =	vst v63  }
0x1e: {  	_ =	swait.ge [sflag:s25], $0x8000  }
0x1f: {  	[sflag:s25] =	ssyncset.done $0x0  }
0x20: {  	s21 =	simm.s32 $0x18040;
	[sflag:s25] =	ssyncadd.s32 $0xFFFF8000  }
0x21: {  	v1 =	vld [tilespmem:s21+$0x30]  }
0x22: {  	v2 =	vld [tilespmem:s21+$0xFFFFFFD0]  }
0x23: {  	v3 =	vld [tilespmem:s21+$0xFFFFFFE0]  }
0x24: {  	v4 =	vld [tilespmem:s21+$0xFFFFFFF0]  }
0x25: {  	v5 =	vld [tilespmem:s21+$0x0]  }
0x26: {  	v6 =	vld [tilespmem:s21+$0x10]  }
0x27: {  	v7 =	vld [tilespmem:s21+$0x20]  }
0x28: {  	s1 =	simm.s32 $0x0;
	v8 =	vld [tilespmem:s21+$0xFFFFFFC0];
	s21 =	simm.s32 $0x18440  }
.LBB2_2:
0x29: {  	s1 =	sadd.s32 $0x80, s1;
	[tilespmem:v1+s2+$0x0] =	vst.idx.msk $0xffff, v0;
	v1 =	vld [tilespmem:s21+$0x30]  }
0x2a: {  	p0 =	slt.u32 s1, $0x780;
	[tilespmem:v2+s2+$0x0] =	vst.idx.msk $0xffff, v0;
	v2 =	vld [tilespmem:s21+$0xFFFFFFD0]  }
0x2b: {  	[tilespmem:v3+s2+$0x0] =	vst.idx.msk $0xffff, v0;
	v3 =	vld [tilespmem:s21+$0xFFFFFFE0]  }
.Ltmp0:
0x2c: {  	[tilespmem:v4+s2+$0x0] =	vst.idx.msk $0xffff, v0;
	v4 =	vld [tilespmem:s21+$0xFFFFFFF0];
	(pc) =	sbr.rel @p0 .LBB2_2-.Ltmp0, $4  }
0x2d: {  	[tilespmem:v5+s2+$0x0] =	vst.idx.msk $0xffff, v0;
	v5 =	vld [tilespmem:s21+$0x0]  }
0x2e: {  	[tilespmem:v6+s2+$0x0] =	vst.idx.msk $0xffff, v0;
	v6 =	vld [tilespmem:s21+$0x10]  }
0x2f: {  	[tilespmem:v7+s2+$0x0] =	vst.idx.msk $0xffff, v0;
	v7 =	vld [tilespmem:s21+$0x20]  }
0x30: {  	[tilespmem:v8+s2+$0x0] =	vst.idx.msk $0xffff, v0;
	v8 =	vld [tilespmem:s21+$0xFFFFFFC0];
	s21 =	sadd.s32 $0x400, s21  }
0x31: {  	_ =	sdelay $0x3  }
0x32: {  	[tilespmem:v1+s2+$0x0] =	vst.idx.msk $0xffff, v0  }
0x33: {  	[tilespmem:v2+s2+$0x0] =	vst.idx.msk $0xffff, v0  }
0x34: {  	[tilespmem:v3+s2+$0x0] =	vst.idx.msk $0xffff, v0  }
0x35: {  	[tilespmem:v4+s2+$0x0] =	vst.idx.msk $0xffff, v0  }
0x36: {  	[tilespmem:v5+s2+$0x0] =	vst.idx.msk $0xffff, v0  }
0x37: {  	[tilespmem:v6+s2+$0x0] =	vst.idx.msk $0xffff, v0  }
0x38: {  	[tilespmem:v7+s2+$0x0] =	vst.idx.msk $0xffff, v0  }
0x39: {  	[tilespmem:v8+s2+$0x0] =	vst.idx.msk $0xffff, v0  }
0x3a: {  	[hbm4b:s7+s2] =	stream.linear.scatter [tilespmem:s2], [sflag:$0x5], $0x8000, $0x38;
	[tilespmem:$0x1C000] =	vst v63  }
0x3b: {  	_ =	swait.ge [sflag:s26], $0x8000  }
0x3c: {  	[sflag:s26] =	ssyncset.done $0x0  }
0x3d: {  	[sflag:s26] =	ssyncadd.s32 $0xFFFF8000  }
0x3e: {  	[tilespmem:s2], [sflag:$0x2] =	stream.linear.gather [hbm4b:s8+s2], $0x8000, $0x38;
	[tilespmem:$0x1C000] =	vst v63  }
0x3f: {  	_ =	swait.ge [sflag:s28], $0x8000  }
0x40: {  	[sflag:s28] =	ssyncset.done $0x0  }
0x41: {  	s21 =	simm.s32 $0x180F0;
	[sflag:s28] =	ssyncadd.s32 $0xFFFF8000  }
0x42: {  	v1 =	vld [tilespmem:s21+$0x0]  }
0x43: {  	v2 =	vld [tilespmem:s21+$0xFFFFFFA0]  }
0x44: {  	v3 =	vld [tilespmem:s21+$0xFFFFFFB0]  }
0x45: {  	v4 =	vld [tilespmem:s21+$0xFFFFFFC0]  }
0x46: {  	v5 =	vld [tilespmem:s21+$0xFFFFFFD0]  }
0x47: {  	v6 =	vld [tilespmem:s21+$0xFFFFFFE0]  }
0x48: {  	v7 =	vld [tilespmem:s21+$0xFFFFFFF0]  }
0x49: {  	s1 =	simm.s32 $0x0;
	v8 =	vld [tilespmem:s21+$0xFFFFFF90];
	s21 =	simm.s32 $0x184F0  }
.LBB2_4:
0x4a: {  	s1 =	sadd.s32 $0x80, s1;
	[tilespmem:v1+s22+$0x0] =	vst.idx.msk $0xffff, v0;
	v1 =	vld [tilespmem:s21+$0x0]  }
0x4b: {  	p0 =	slt.u32 s1, $0x780;
	[tilespmem:v2+s22+$0x0] =	vst.idx.msk $0xffff, v0;
	v2 =	vld [tilespmem:s21+$0xFFFFFFA0]  }
0x4c: {  	[tilespmem:v3+s22+$0x0] =	vst.idx.msk $0xffff, v0;
	v3 =	vld [tilespmem:s21+$0xFFFFFFB0]  }
.Ltmp1:
0x4d: {  	[tilespmem:v4+s22+$0x0] =	vst.idx.msk $0xffff, v0;
	v4 =	vld [tilespmem:s21+$0xFFFFFFC0];
	(pc) =	sbr.rel @p0 .LBB2_4-.Ltmp1, $4  }
0x4e: {  	[tilespmem:v5+s22+$0x0] =	vst.idx.msk $0xffff, v0;
	v5 =	vld [tilespmem:s21+$0xFFFFFFD0]  }
0x4f: {  	[tilespmem:v6+s22+$0x0] =	vst.idx.msk $0xffff, v0;
	v6 =	vld [tilespmem:s21+$0xFFFFFFE0]  }
0x50: {  	[tilespmem:v7+s22+$0x0] =	vst.idx.msk $0xffff, v0;
	v7 =	vld [tilespmem:s21+$0xFFFFFFF0]  }
0x51: {  	[tilespmem:v8+s22+$0x0] =	vst.idx.msk $0xffff, v0;
	v8 =	vld [tilespmem:s21+$0xFFFFFF90];
	s21 =	sadd.s32 $0x400, s21  }
0x52: {  	_ =	sdelay $0x3  }
0x53: {  	[tilespmem:v1+s22+$0x0] =	vst.idx.msk $0xffff, v0  }
0x54: {  	[tilespmem:v2+s22+$0x0] =	vst.idx.msk $0xffff, v0  }
0x55: {  	[tilespmem:v3+s22+$0x0] =	vst.idx.msk $0xffff, v0  }
0x56: {  	[tilespmem:v4+s22+$0x0] =	vst.idx.msk $0xffff, v0  }
0x57: {  	[tilespmem:v5+s22+$0x0] =	vst.idx.msk $0xffff, v0  }
0x58: {  	[tilespmem:v6+s22+$0x0] =	vst.idx.msk $0xffff, v0  }
0x59: {  	[tilespmem:v7+s22+$0x0] =	vst.idx.msk $0xffff, v0  }
0x5a: {  	[tilespmem:v8+s22+$0x0] =	vst.idx.msk $0xffff, v0  }
0x5b: {  	[hbm4b:s9+s2] =	stream.linear.scatter [tilespmem:s22], [sflag:$0x6], $0x8000, $0x38;
	[tilespmem:$0x1C000] =	vst v63  }
0x5c: {  	_ =	swait.ge [sflag:s29], $0x8000  }
0x5d: {  	[sflag:s29] =	ssyncset.done $0x0  }
0x5e: {  	[sflag:s29] =	ssyncadd.s32 $0xFFFF8000  }
0x5f: {  	[tilespmem:s22], [sflag:$0x3] =	stream.linear.gather [hbm4b:s10+s2], $0x8000, $0x38;
	[tilespmem:$0x1C000] =	vst v63  }
0x60: {  	_ =	swait.ge [sflag:s30], $0x8000  }
0x61: {  	[sflag:s30] =	ssyncset.done $0x0  }
0x62: {  	s21 =	simm.s32 $0x18170;
	[sflag:s30] =	ssyncadd.s32 $0xFFFF8000  }
0x63: {  	v1 =	vld [tilespmem:s21+$0x0]  }
0x64: {  	v2 =	vld [tilespmem:s21+$0xFFFFFFA0]  }
0x65: {  	v3 =	vld [tilespmem:s21+$0xFFFFFFB0]  }
0x66: {  	v4 =	vld [tilespmem:s21+$0xFFFFFFC0]  }
0x67: {  	v5 =	vld [tilespmem:s21+$0xFFFFFFD0]  }
0x68: {  	v6 =	vld [tilespmem:s21+$0xFFFFFFE0]  }
0x69: {  	v7 =	vld [tilespmem:s21+$0xFFFFFFF0]  }
0x6a: {  	s1 =	simm.s32 $0x0;
	v8 =	vld [tilespmem:s21+$0xFFFFFF90];
	s21 =	simm.s32 $0x18570  }
.LBB2_6:
0x6b: {  	s1 =	sadd.s32 $0x80, s1;
	[tilespmem:v1+s24+$0x0] =	vst.idx.msk $0xffff, v0;
	v1 =	vld [tilespmem:s21+$0x0]  }
0x6c: {  	p0 =	slt.u32 s1, $0x780;
	[tilespmem:v2+s24+$0x0] =	vst.idx.msk $0xffff, v0;
	v2 =	vld [tilespmem:s21+$0xFFFFFFA0]  }
0x6d: {  	[tilespmem:v3+s24+$0x0] =	vst.idx.msk $0xffff, v0;
	v3 =	vld [tilespmem:s21+$0xFFFFFFB0]  }
.Ltmp2:
0x6e: {  	[tilespmem:v4+s24+$0x0] =	vst.idx.msk $0xffff, v0;
	v4 =	vld [tilespmem:s21+$0xFFFFFFC0];
	(pc) =	sbr.rel @p0 .LBB2_6-.Ltmp2, $4  }
0x6f: {  	[tilespmem:v5+s24+$0x0] =	vst.idx.msk $0xffff, v0;
	v5 =	vld [tilespmem:s21+$0xFFFFFFD0]  }
0x70: {  	[tilespmem:v6+s24+$0x0] =	vst.idx.msk $0xffff, v0;
	v6 =	vld [tilespmem:s21+$0xFFFFFFE0]  }
0x71: {  	[tilespmem:v7+s24+$0x0] =	vst.idx.msk $0xffff, v0;
	v7 =	vld [tilespmem:s21+$0xFFFFFFF0]  }
0x72: {  	[tilespmem:v8+s24+$0x0] =	vst.idx.msk $0xffff, v0;
	v8 =	vld [tilespmem:s21+$0xFFFFFF90];
	s21 =	sadd.s32 $0x400, s21  }
0x73: {  	_ =	sdelay $0x3  }
0x74: {  	[tilespmem:v1+s24+$0x0] =	vst.idx.msk $0xffff, v0  }
0x75: {  	[tilespmem:v2+s24+$0x0] =	vst.idx.msk $0xffff, v0  }
0x76: {  	[tilespmem:v3+s24+$0x0] =	vst.idx.msk $0xffff, v0  }
0x77: {  	[tilespmem:v4+s24+$0x0] =	vst.idx.msk $0xffff, v0  }
0x78: {  	[tilespmem:v5+s24+$0x0] =	vst.idx.msk $0xffff, v0  }
0x79: {  	[tilespmem:v6+s24+$0x0] =	vst.idx.msk $0xffff, v0  }
0x7a: {  	[tilespmem:v7+s24+$0x0] =	vst.idx.msk $0xffff, v0  }
0x7b: {  	[tilespmem:v8+s24+$0x0] =	vst.idx.msk $0xffff, v0  }
0x7c: {  	[hbm4b:s11+s2] =	stream.linear.scatter [tilespmem:s24], [sflag:$0x7], $0x8000, $0x38;
	[tilespmem:$0x1C000] =	vst v63  }
0x7d: {  	_ =	swait.ge [sflag:s31], $0x8000  }
0x7e: {  	[sflag:s31] =	ssyncset.done $0x0  }
0x7f: {  	[sflag:s31] =	ssyncadd.s32 $0xFFFF8000  }
0x80: {  	[tilespmem:s24], [sflag:$0x4] =	stream.linear.gather [hbm4b:s12+s2], $0x8000, $0x38;
	[tilespmem:$0x1C000] =	vst v63  }
0x81: {  	_ =	swait.ge [sflag:s25], $0x8000  }
0x82: {  	[sflag:s25] =	ssyncset.done $0x0  }
0x83: {  	s21 =	simm.s32 $0x181F0;
	[sflag:s25] =	ssyncadd.s32 $0xFFFF8000  }
0x84: {  	v1 =	vld [tilespmem:s21+$0x0]  }
0x85: {  	v2 =	vld [tilespmem:s21+$0xFFFFFFA0]  }
0x86: {  	v3 =	vld [tilespmem:s21+$0xFFFFFFB0]  }
0x87: {  	v4 =	vld [tilespmem:s21+$0xFFFFFFC0]  }
0x88: {  	v5 =	vld [tilespmem:s21+$0xFFFFFFD0]  }
0x89: {  	v6 =	vld [tilespmem:s21+$0xFFFFFFE0]  }
0x8a: {  	v7 =	vld [tilespmem:s21+$0xFFFFFFF0]  }
0x8b: {  	s1 =	simm.s32 $0x0;
	v8 =	vld [tilespmem:s21+$0xFFFFFF90];
	s21 =	simm.s32 $0x185F0  }
.LBB2_8:
0x8c: {  	s1 =	sadd.s32 $0x80, s1;
	[tilespmem:v1+s2+$0x0] =	vst.idx.msk $0xffff, v0;
	v1 =	vld [tilespmem:s21+$0x0]  }
0x8d: {  	p0 =	slt.u32 s1, $0x780;
	[tilespmem:v2+s2+$0x0] =	vst.idx.msk $0xffff, v0;
	v2 =	vld [tilespmem:s21+$0xFFFFFFA0]  }
0x8e: {  	[tilespmem:v3+s2+$0x0] =	vst.idx.msk $0xffff, v0;
	v3 =	vld [tilespmem:s21+$0xFFFFFFB0]  }
.Ltmp3:
0x8f: {  	[tilespmem:v4+s2+$0x0] =	vst.idx.msk $0xffff, v0;
	v4 =	vld [tilespmem:s21+$0xFFFFFFC0];
	(pc) =	sbr.rel @p0 .LBB2_8-.Ltmp3, $4  }
0x90: {  	[tilespmem:v5+s2+$0x0] =	vst.idx.msk $0xffff, v0;
	v5 =	vld [tilespmem:s21+$0xFFFFFFD0]  }
0x91: {  	[tilespmem:v6+s2+$0x0] =	vst.idx.msk $0xffff, v0;
	v6 =	vld [tilespmem:s21+$0xFFFFFFE0]  }
0x92: {  	[tilespmem:v7+s2+$0x0] =	vst.idx.msk $0xffff, v0;
	v7 =	vld [tilespmem:s21+$0xFFFFFFF0]  }
0x93: {  	[tilespmem:v8+s2+$0x0] =	vst.idx.msk $0xffff, v0;
	v8 =	vld [tilespmem:s21+$0xFFFFFF90];
	s21 =	sadd.s32 $0x400, s21  }
0x94: {  	_ =	sdelay $0x3  }
0x95: {  	[tilespmem:v1+s2+$0x0] =	vst.idx.msk $0xffff, v0  }
0x96: {  	[tilespmem:v2+s2+$0x0] =	vst.idx.msk $0xffff, v0  }
0x97: {  	[tilespmem:v3+s2+$0x0] =	vst.idx.msk $0xffff, v0  }
0x98: {  	[tilespmem:v4+s2+$0x0] =	vst.idx.msk $0xffff, v0  }
0x99: {  	[tilespmem:v5+s2+$0x0] =	vst.idx.msk $0xffff, v0  }
0x9a: {  	[tilespmem:v6+s2+$0x0] =	vst.idx.msk $0xffff, v0  }
0x9b: {  	[tilespmem:v7+s2+$0x0] =	vst.idx.msk $0xffff, v0  }
0x9c: {  	[tilespmem:v8+s2+$0x0] =	vst.idx.msk $0xffff, v0  }
0x9d: {  	[hbm4b:s13+s2] =	stream.linear.scatter [tilespmem:s2], [sflag:$0x5], $0x8000, $0x38;
	[tilespmem:$0x1C000] =	vst v63  }
0x9e: {  	_ =	swait.ge [sflag:s26], $0x8000  }
0x9f: {  	[sflag:s26] =	ssyncset.done $0x0  }
0xa0: {  	[sflag:s26] =	ssyncadd.s32 $0xFFFF8000  }
0xa1: {  	[tilespmem:s2], [sflag:$0x2] =	stream.linear.gather [hbm4b:s14+s2], $0x8000, $0x38;
	[tilespmem:$0x1C000] =	vst v63  }
0xa2: {  	_ =	swait.ge [sflag:s28], $0x8000  }
0xa3: {  	[sflag:s28] =	ssyncset.done $0x0  }
0xa4: {  	s21 =	simm.s32 $0x18270;
	[sflag:s28] =	ssyncadd.s32 $0xFFFF8000  }
0xa5: {  	v1 =	vld [tilespmem:s21+$0x0]  }
0xa6: {  	v2 =	vld [tilespmem:s21+$0xFFFFFFA0]  }
0xa7: {  	v3 =	vld [tilespmem:s21+$0xFFFFFFB0]  }
0xa8: {  	v4 =	vld [tilespmem:s21+$0xFFFFFFC0]  }
0xa9: {  	v5 =	vld [tilespmem:s21+$0xFFFFFFD0]  }
0xaa: {  	v6 =	vld [tilespmem:s21+$0xFFFFFFE0]  }
0xab: {  	v7 =	vld [tilespmem:s21+$0xFFFFFFF0]  }
0xac: {  	s1 =	simm.s32 $0x0;
	v8 =	vld [tilespmem:s21+$0xFFFFFF90];
	s21 =	simm.s32 $0x18670  }
.LBB2_10:
0xad: {  	s1 =	sadd.s32 $0x80, s1;
	[tilespmem:v1+s22+$0x0] =	vst.idx.msk $0xffff, v0;
	v1 =	vld [tilespmem:s21+$0x0]  }
0xae: {  	p0 =	slt.u32 s1, $0x780;
	[tilespmem:v2+s22+$0x0] =	vst.idx.msk $0xffff, v0;
	v2 =	vld [tilespmem:s21+$0xFFFFFFA0]  }
0xaf: {  	[tilespmem:v3+s22+$0x0] =	vst.idx.msk $0xffff, v0;
	v3 =	vld [tilespmem:s21+$0xFFFFFFB0]  }
.Ltmp4:
0xb0: {  	[tilespmem:v4+s22+$0x0] =	vst.idx.msk $0xffff, v0;
	v4 =	vld [tilespmem:s21+$0xFFFFFFC0];
	(pc) =	sbr.rel @p0 .LBB2_10-.Ltmp4, $4  }
0xb1: {  	[tilespmem:v5+s22+$0x0] =	vst.idx.msk $0xffff, v0;
	v5 =	vld [tilespmem:s21+$0xFFFFFFD0]  }
0xb2: {  	[tilespmem:v6+s22+$0x0] =	vst.idx.msk $0xffff, v0;
	v6 =	vld [tilespmem:s21+$0xFFFFFFE0]  }
0xb3: {  	[tilespmem:v7+s22+$0x0] =	vst.idx.msk $0xffff, v0;
	v7 =	vld [tilespmem:s21+$0xFFFFFFF0]  }
0xb4: {  	[tilespmem:v8+s22+$0x0] =	vst.idx.msk $0xffff, v0;
	v8 =	vld [tilespmem:s21+$0xFFFFFF90];
	s21 =	sadd.s32 $0x400, s21  }
0xb5: {  	_ =	sdelay $0x3  }
0xb6: {  	[tilespmem:v1+s22+$0x0] =	vst.idx.msk $0xffff, v0  }
0xb7: {  	[tilespmem:v2+s22+$0x0] =	vst.idx.msk $0xffff, v0  }
0xb8: {  	[tilespmem:v3+s22+$0x0] =	vst.idx.msk $0xffff, v0  }
0xb9: {  	[tilespmem:v4+s22+$0x0] =	vst.idx.msk $0xffff, v0  }
0xba: {  	[tilespmem:v5+s22+$0x0] =	vst.idx.msk $0xffff, v0  }
0xbb: {  	[tilespmem:v6+s22+$0x0] =	vst.idx.msk $0xffff, v0  }
0xbc: {  	[tilespmem:v7+s22+$0x0] =	vst.idx.msk $0xffff, v0  }
0xbd: {  	[tilespmem:v8+s22+$0x0] =	vst.idx.msk $0xffff, v0  }
0xbe: {  	[hbm4b:s15+s2] =	stream.linear.scatter [tilespmem:s22], [sflag:$0x6], $0x8000, $0x38;
	[tilespmem:$0x1C000] =	vst v63  }
0xbf: {  	_ =	swait.ge [sflag:s29], $0x8000  }
0xc0: {  	[sflag:s29] =	ssyncset.done $0x0  }
0xc1: {  	[sflag:s29] =	ssyncadd.s32 $0xFFFF8000  }
0xc2: {  	[tilespmem:s22], [sflag:$0x3] =	stream.linear.gather [hbm4b:s16+s2], $0x8000, $0x38;
	[tilespmem:$0x1C000] =	vst v63  }
0xc3: {  	_ =	swait.ge [sflag:s30], $0x8000  }
0xc4: {  	[sflag:s30] =	ssyncset.done $0x0  }
0xc5: {  	s21 =	simm.s32 $0x182F0;
	[sflag:s30] =	ssyncadd.s32 $0xFFFF8000  }
0xc6: {  	v1 =	vld [tilespmem:s21+$0x0]  }
0xc7: {  	v2 =	vld [tilespmem:s21+$0xFFFFFFA0]  }
0xc8: {  	v3 =	vld [tilespmem:s21+$0xFFFFFFB0]  }
0xc9: {  	v4 =	vld [tilespmem:s21+$0xFFFFFFC0]  }
0xca: {  	v5 =	vld [tilespmem:s21+$0xFFFFFFD0]  }
0xcb: {  	v6 =	vld [tilespmem:s21+$0xFFFFFFE0]  }
0xcc: {  	v7 =	vld [tilespmem:s21+$0xFFFFFFF0]  }
0xcd: {  	s1 =	simm.s32 $0x0;
	v8 =	vld [tilespmem:s21+$0xFFFFFF90];
	s21 =	simm.s32 $0x186F0  }
.LBB2_12:
0xce: {  	s1 =	sadd.s32 $0x80, s1;
	[tilespmem:v1+s24+$0x0] =	vst.idx.msk $0xffff, v0;
	v1 =	vld [tilespmem:s21+$0x0]  }
0xcf: {  	p0 =	slt.u32 s1, $0x780;
	[tilespmem:v2+s24+$0x0] =	vst.idx.msk $0xffff, v0;
	v2 =	vld [tilespmem:s21+$0xFFFFFFA0]  }
0xd0: {  	[tilespmem:v3+s24+$0x0] =	vst.idx.msk $0xffff, v0;
	v3 =	vld [tilespmem:s21+$0xFFFFFFB0]  }
.Ltmp5:
0xd1: {  	[tilespmem:v4+s24+$0x0] =	vst.idx.msk $0xffff, v0;
	v4 =	vld [tilespmem:s21+$0xFFFFFFC0];
	(pc) =	sbr.rel @p0 .LBB2_12-.Ltmp5, $4  }
0xd2: {  	[tilespmem:v5+s24+$0x0] =	vst.idx.msk $0xffff, v0;
	v5 =	vld [tilespmem:s21+$0xFFFFFFD0]  }
0xd3: {  	[tilespmem:v6+s24+$0x0] =	vst.idx.msk $0xffff, v0;
	v6 =	vld [tilespmem:s21+$0xFFFFFFE0]  }
0xd4: {  	[tilespmem:v7+s24+$0x0] =	vst.idx.msk $0xffff, v0;
	v7 =	vld [tilespmem:s21+$0xFFFFFFF0]  }
0xd5: {  	[tilespmem:v8+s24+$0x0] =	vst.idx.msk $0xffff, v0;
	v8 =	vld [tilespmem:s21+$0xFFFFFF90];
	s21 =	sadd.s32 $0x400, s21  }
0xd6: {  	_ =	sdelay $0x3  }
0xd7: {  	[tilespmem:v1+s24+$0x0] =	vst.idx.msk $0xffff, v0  }
0xd8: {  	[tilespmem:v2+s24+$0x0] =	vst.idx.msk $0xffff, v0  }
0xd9: {  	[tilespmem:v3+s24+$0x0] =	vst.idx.msk $0xffff, v0  }
0xda: {  	[tilespmem:v4+s24+$0x0] =	vst.idx.msk $0xffff, v0  }
0xdb: {  	[tilespmem:v5+s24+$0x0] =	vst.idx.msk $0xffff, v0  }
0xdc: {  	[tilespmem:v6+s24+$0x0] =	vst.idx.msk $0xffff, v0  }
0xdd: {  	[tilespmem:v7+s24+$0x0] =	vst.idx.msk $0xffff, v0  }
0xde: {  	[tilespmem:v8+s24+$0x0] =	vst.idx.msk $0xffff, v0  }
0xdf: {  	[hbm4b:s17+s2] =	stream.linear.scatter [tilespmem:s24], [sflag:$0x7], $0x8000, $0x38;
	[tilespmem:$0x1C000] =	vst v63  }
0xe0: {  	_ =	swait.ge [sflag:s25], $0x8000  }
0xe1: {  	[sflag:s25] =	ssyncset.done $0x0  }
0xe2: {  	s21 =	simm.s32 $0x18370;
	[sflag:s25] =	ssyncadd.s32 $0xFFFF8000  }
0xe3: {  	v1 =	vld [tilespmem:s21+$0x0]  }
0xe4: {  	v2 =	vld [tilespmem:s21+$0xFFFFFFA0]  }
0xe5: {  	v3 =	vld [tilespmem:s21+$0xFFFFFFB0]  }
0xe6: {  	v4 =	vld [tilespmem:s21+$0xFFFFFFC0]  }
0xe7: {  	v5 =	vld [tilespmem:s21+$0xFFFFFFD0]  }
0xe8: {  	v6 =	vld [tilespmem:s21+$0xFFFFFFE0]  }
0xe9: {  	v7 =	vld [tilespmem:s21+$0xFFFFFFF0]  }
0xea: {  	s1 =	simm.s32 $0x0;
	v8 =	vld [tilespmem:s21+$0xFFFFFF90];
	s21 =	simm.s32 $0x18770  }
.LBB2_14:
0xeb: {  	s1 =	sadd.s32 $0x80, s1;
	[tilespmem:v1+s2+$0x0] =	vst.idx.msk $0xffff, v0;
	v1 =	vld [tilespmem:s21+$0x0]  }
0xec: {  	p0 =	slt.u32 s1, $0x780;
	[tilespmem:v2+s2+$0x0] =	vst.idx.msk $0xffff, v0;
	v2 =	vld [tilespmem:s21+$0xFFFFFFA0]  }
0xed: {  	[tilespmem:v3+s2+$0x0] =	vst.idx.msk $0xffff, v0;
	v3 =	vld [tilespmem:s21+$0xFFFFFFB0]  }
.Ltmp6:
0xee: {  	[tilespmem:v4+s2+$0x0] =	vst.idx.msk $0xffff, v0;
	v4 =	vld [tilespmem:s21+$0xFFFFFFC0];
	(pc) =	sbr.rel @p0 .LBB2_14-.Ltmp6, $4  }
0xef: {  	[tilespmem:v5+s2+$0x0] =	vst.idx.msk $0xffff, v0;
	v5 =	vld [tilespmem:s21+$0xFFFFFFD0]  }
0xf0: {  	[tilespmem:v6+s2+$0x0] =	vst.idx.msk $0xffff, v0;
	v6 =	vld [tilespmem:s21+$0xFFFFFFE0]  }
0xf1: {  	[tilespmem:v7+s2+$0x0] =	vst.idx.msk $0xffff, v0;
	v7 =	vld [tilespmem:s21+$0xFFFFFFF0]  }
0xf2: {  	[tilespmem:v8+s2+$0x0] =	vst.idx.msk $0xffff, v0;
	v8 =	vld [tilespmem:s21+$0xFFFFFF90];
	s21 =	sadd.s32 $0x400, s21  }
0xf3: {  	_ =	sdelay $0x3  }
0xf4: {  	[tilespmem:v1+s2+$0x0] =	vst.idx.msk $0xffff, v0  }
0xf5: {  	[tilespmem:v2+s2+$0x0] =	vst.idx.msk $0xffff, v0  }
0xf6: {  	[tilespmem:v3+s2+$0x0] =	vst.idx.msk $0xffff, v0  }
0xf7: {  	[tilespmem:v4+s2+$0x0] =	vst.idx.msk $0xffff, v0  }
0xf8: {  	[tilespmem:v5+s2+$0x0] =	vst.idx.msk $0xffff, v0  }
0xf9: {  	[tilespmem:v6+s2+$0x0] =	vst.idx.msk $0xffff, v0  }
0xfa: {  	[tilespmem:v7+s2+$0x0] =	vst.idx.msk $0xffff, v0  }
0xfb: {  	[tilespmem:v8+s2+$0x0] =	vst.idx.msk $0xffff, v0  }
0xfc: {  	[hbm4b:s18+s2] =	stream.linear.scatter [tilespmem:s2], [sflag:$0x5], $0x8000, $0x38;
	[tilespmem:$0x1C000] =	vst v63  }
0xfd: {  	_ =	swait.ge [sflag:s28], $0x8000  }
0xfe: {  	[sflag:s28] =	ssyncset.done $0x0  }
0xff: {  	s21 =	simm.s32 $0x183F0;
	[sflag:s28] =	ssyncadd.s32 $0xFFFF8000  }
0x100: {  	v1 =	vld [tilespmem:s21+$0x0]  }
0x101: {  	v2 =	vld [tilespmem:s21+$0xFFFFFFA0]  }
0x102: {  	v3 =	vld [tilespmem:s21+$0xFFFFFFB0]  }
0x103: {  	v4 =	vld [tilespmem:s21+$0xFFFFFFC0]  }
0x104: {  	v5 =	vld [tilespmem:s21+$0xFFFFFFD0]  }
0x105: {  	v6 =	vld [tilespmem:s21+$0xFFFFFFE0]  }
0x106: {  	v7 =	vld [tilespmem:s21+$0xFFFFFFF0]  }
0x107: {  	s1 =	simm.s32 $0x0;
	v8 =	vld [tilespmem:s21+$0xFFFFFF90];
	s21 =	simm.s32 $0x187F0  }
.LBB2_16:
0x108: {  	s1 =	sadd.s32 $0x80, s1;
	[tilespmem:v1+s22+$0x0] =	vst.idx.msk $0xffff, v0;
	v1 =	vld [tilespmem:s21+$0x0]  }
0x109: {  	p0 =	slt.u32 s1, $0x780;
	[tilespmem:v2+s22+$0x0] =	vst.idx.msk $0xffff, v0;
	v2 =	vld [tilespmem:s21+$0xFFFFFFA0]  }
0x10a: {  	[tilespmem:v3+s22+$0x0] =	vst.idx.msk $0xffff, v0;
	v3 =	vld [tilespmem:s21+$0xFFFFFFB0]  }
.Ltmp7:
0x10b: {  	[tilespmem:v4+s22+$0x0] =	vst.idx.msk $0xffff, v0;
	v4 =	vld [tilespmem:s21+$0xFFFFFFC0];
	(pc) =	sbr.rel @p0 .LBB2_16-.Ltmp7, $4  }
0x10c: {  	[tilespmem:v5+s22+$0x0] =	vst.idx.msk $0xffff, v0;
	v5 =	vld [tilespmem:s21+$0xFFFFFFD0]  }
0x10d: {  	[tilespmem:v6+s22+$0x0] =	vst.idx.msk $0xffff, v0;
	v6 =	vld [tilespmem:s21+$0xFFFFFFE0]  }
0x10e: {  	[tilespmem:v7+s22+$0x0] =	vst.idx.msk $0xffff, v0;
	v7 =	vld [tilespmem:s21+$0xFFFFFFF0]  }
0x10f: {  	[tilespmem:v8+s22+$0x0] =	vst.idx.msk $0xffff, v0;
	v8 =	vld [tilespmem:s21+$0xFFFFFF90];
	s21 =	sadd.s32 $0x400, s21  }
0x110: {  	_ =	sdelay $0x3  }
0x111: {  	[tilespmem:v1+s22+$0x0] =	vst.idx.msk $0xffff, v0  }
0x112: {  	[tilespmem:v2+s22+$0x0] =	vst.idx.msk $0xffff, v0  }
0x113: {  	[tilespmem:v3+s22+$0x0] =	vst.idx.msk $0xffff, v0  }
0x114: {  	[tilespmem:v4+s22+$0x0] =	vst.idx.msk $0xffff, v0  }
0x115: {  	[tilespmem:v5+s22+$0x0] =	vst.idx.msk $0xffff, v0  }
0x116: {  	[tilespmem:v6+s22+$0x0] =	vst.idx.msk $0xffff, v0  }
0x117: {  	[tilespmem:v7+s22+$0x0] =	vst.idx.msk $0xffff, v0  }
0x118: {  	[tilespmem:v8+s22+$0x0] =	vst.idx.msk $0xffff, v0  }
0x119: {  	[hbm4b:s19+s2] =	stream.linear.scatter [tilespmem:s22], [sflag:$0x6], $0x8000, $0x38;
	[tilespmem:$0x1C000] =	vst v63  }
0x11a: {  	_ =	swait.ge [sflag:s31], $0x8000  }
0x11b: {  	[sflag:s31] =	ssyncset.done $0x0  }
0x11c: {  	s0 =	sadd.s32 $0x1, s0;
	[sflag:s31] =	ssyncadd.s32 $0xFFFF8000  }
0x11d: {  	p0 =	sne.s32 s0, s20;
	_ =	swait.ge [sflag:s26], $0x8000  }
.Ltmp8:
0x11e: {  	[sflag:s26] =	ssyncset.done $0x0;
	(pc) =	sbr.rel @p0 .LBB2_1-.Ltmp8, $4  }
0x11f: {  	[sflag:s26] =	ssyncadd.s32 $0xFFFF8000  }
0x120: {  	_ =	swait.ge [sflag:s29], $0x8000  }
0x121: {  	[sflag:s29] =	ssyncset.done $0x0  }
0x122: {  	[sflag:s29] =	ssyncadd.s32 $0xFFFF8000  }
0x123: {  	_ =	sfence.sel $0x180000  }
0x124: {  	[bflag:$0x0] =	sbarrier.arrive $0xFFFF  }
0x125: {  	_ =	strace $0x90000047  }
0x126: {  	s0 =	stileid.u32;
	[bflag:$0x2] =	sbarrier.arrive $0xFFFF  }
0x127: {  	p0 =	sne.s32 s0, $0x0;
	s0 =	rddreg [dreg:$0x3]  }
0x128: {  	s0 =	sadd.s32 @!p0 $0x100000, s0  }
0x129: {  	[sflag:s0] =	ssyncadd.tile.s32 @!p0 $0x1;
	_ =	shalt  }
.Lfunc_end2:
_tile_overlayer_lowered:
.L_overlay_start_2:
0x12a: {  	(tag) =	ssettag $0x2  }
0x12b: {  	s0 =	rddreg [dreg:$0x0];
	s2 =	stileid.u32  }
0x12c: {  	s1 =	rddreg [dreg:$0x1];
	p0 =	sne.s32 s2, $0x0  }
0x12d: {  	s3 =	rddreg [dreg:$0x2];
	[bflag:$0x3] =	sbarrier.arrive $0xFFFF;
	s2 =	simm.s32 @!p0 $0x1C08  }
0x12e: {  	[timem:s3], [sflag:s2] =	dma.local @!p0 [hbm:s0], s1  }
0x12f: {  	s0 =	simm.s32 @!p0 $0x8  }
0x130: {  	_ =	swait.ge @!p0 [sflag:s0], s1  }
0x131: {  	s1 =	ssub.s32 @!p0 $0x0, s1;
	[sflag:s0] =	ssyncset.done @!p0 $0x0  }
0x132: {  	[sflag:s0] =	ssyncadd.s32 @!p0 s1  }
0x133: {  	[bflag:$0x3] =	sbarrier.arrive $0xFFFF  }
0x134: {  	_ =	shalt  }

</sc_bundles>
